<compile_context>
chip_gen: v7x
topology: tpu7x:2x2x1
jax: 0.10.2.dev20260603
libtpu: 0.0.44.dev20260713+nightly
codegen_flags: <defaults>
</compile_context>

<pallas_src>
import jax
import jax.numpy as jnp
from jax import lax
from jax.experimental import pallas as pl
from jax.experimental.pallas import tpu as pltpu
from jax.experimental.pallas import tpu_sc as plsc

DIM = 128
N_EDGES = 320000
N_NODES = 10000
EDGE_NUM = 3000
NUM_CORES = 2
NUM_SUBCORES = 16
NW = NUM_CORES * NUM_SUBCORES
E_PER_W = N_EDGES // NW
LANES = 16
CHUNK = 64
N_FULL = E_PER_W // CHUNK
TAIL = E_PER_W - N_FULL * CHUNK
NBUF = 4


EIW = 10112


def _sc_body(nt_hbm, ei_hbm, table_hbm, out_hbm,
             nt_v, ei_v, et_v, rows_v, tab_sh, isem, gsem, osem):
    sid = lax.axis_index("s")
    wid = sid * NUM_CORES + lax.axis_index("c")
    base = wid * E_PER_W
    off = lax.rem(base, 128)
    cbase = pl.multiple_of(base - off, 128)

    @pl.when(sid < 7)
    def _stage():
        sl = pl.ds(sid * 384, 384)
        pltpu.sync_copy(table_hbm.at[sl], tab_sh.at[sl])

    @pl.when(sid == 7)
    def _stage_tail():
        sl = pl.ds(2688, 312)
        pltpu.sync_copy(table_hbm.at[sl], tab_sh.at[sl])

    pltpu.async_copy(nt_hbm, nt_v, isem)
    pltpu.async_copy(ei_hbm.at[:, pl.ds(cbase, EIW)], ei_v, isem)
    pltpu.make_async_copy(nt_hbm, nt_v, isem).wait()
    pltpu.make_async_copy(ei_hbm.at[:, pl.ds(cbase, EIW)], ei_v, isem).wait()

    plsc.subcore_barrier()

    def compute_span(lo, n):
        @plsc.parallel_loop(0, n, LANES, unroll=n // LANES)
        def _body(i):
            sl = pl.ds(off + lo + i, LANES)
            a = plsc.load_gather(nt_v, [ei_v[0, sl]])
            b = plsc.load_gather(nt_v, [ei_v[1, sl]])
            s = a + b
            et_v[pl.ds(lo + i, LANES)] = (
                lax.shift_right_logical(s * (s + 1), 1) + b)

    def start_gather(g, b):
        idx = et_v.at[pl.ds(g * CHUNK, CHUNK)]
        pltpu.async_copy(tab_sh.at[idx], rows_v.at[b], gsem.at[b])

    def wait_gather(g, b):
        idx = et_v.at[pl.ds(g * CHUNK, CHUNK)]
        pltpu.make_async_copy(tab_sh.at[idx], rows_v.at[b], gsem.at[b]).wait()

    def start_out(g, b):
        pltpu.async_copy(rows_v.at[b], out_hbm.at[pl.ds(base + g * CHUNK, CHUNK)],
                         osem.at[b])

    def wait_out(g, b):
        pltpu.make_async_copy(rows_v.at[b],
                              out_hbm.at[pl.ds(base + g * CHUNK, CHUNK)],
                              osem.at[b]).wait()

    compute_span(0, CHUNK)
    start_gather(0, 0)
    compute_span(CHUNK, CHUNK)
    start_gather(1, 1)
    wait_gather(0, 0)
    start_out(0, 0)
    compute_span(2 * CHUNK, CHUNK)
    start_gather(2, 2)
    wait_gather(1, 1)
    start_out(1, 1)
    compute_span(3 * CHUNK, CHUNK)
    start_gather(3, 3)

    def copy_chunk(g, carry):
        b = lax.rem(g, NBUF)
        wait_gather(g, b)
        start_out(g, b)
        compute_span((g + 2) * CHUNK, CHUNK)
        wait_out(g - 2, lax.rem(g + NBUF - 2, NBUF))
        start_gather(g + 2, lax.rem(g + 2, NBUF))
        return carry

    lax.fori_loop(2, N_FULL - 2, copy_chunk, 0)

    t_idx = et_v.at[pl.ds(N_FULL * CHUNK, TAIL)]
    t_rows = rows_v.at[0, pl.ds(0, TAIL)]
    t_out = out_hbm.at[pl.ds(base + N_FULL * CHUNK, TAIL)]

    g = N_FULL - 2
    wait_gather(g, g % NBUF)
    start_out(g, g % NBUF)
    compute_span(N_FULL * CHUNK, TAIL)
    wait_out(g - 2, (g - 2) % NBUF)
    g = N_FULL - 1
    wait_gather(g, g % NBUF)
    start_out(g, g % NBUF)
    wait_out(g - 2, (g - 2) % NBUF)
    wait_out(N_FULL - 2, (N_FULL - 2) % NBUF)
    pltpu.async_copy(tab_sh.at[t_idx], t_rows, gsem.at[0])
    pltpu.make_async_copy(tab_sh.at[t_idx], t_rows, gsem.at[0]).wait()
    pltpu.async_copy(t_rows, t_out, osem.at[0])
    wait_out(N_FULL - 1, (N_FULL - 1) % NBUF)
    pltpu.make_async_copy(t_rows, t_out, osem.at[0]).wait()


def kernel(node_type, edge_index, table):
    mesh = plsc.VectorSubcoreMesh(core_axis_name="c", subcore_axis_name="s")
    k = pl.kernel(
        _sc_body,
        mesh=mesh,
        out_type=jax.ShapeDtypeStruct((N_EDGES, DIM), jnp.float32),
        compiler_params=pltpu.CompilerParams(needs_layout_passes=False),
        scratch_types=[
            pltpu.VMEM((N_NODES,), jnp.int32),
            pltpu.VMEM((2, EIW), jnp.int32),
            pltpu.VMEM((E_PER_W,), jnp.int32),
            pltpu.VMEM((NBUF, CHUNK, DIM), jnp.float32),
            pltpu.VMEM_SHARED((EDGE_NUM, DIM), jnp.float32),
            pltpu.SemaphoreType.DMA,
            pltpu.SemaphoreType.DMA((NBUF,)),
            pltpu.SemaphoreType.DMA((NBUF,)),
        ],
    )
    return k(node_type, edge_index, table)

# --- scband reference (transcript-rebuilt; emitter-appended) ---
"""Pipeline reference for scband-edge-embedding-8220567405011 (READ-ONLY COPY).

The authoritative reference and input builder live on the scoring server;
editing this copy changes nothing except your own understanding.
"""

import jax, jax.numpy as jnp
import numpy as np

DIM = 128
EDGE_NUM = 3000
N_NODES = 10000
N_EDGES = 320000
MAX_NODE_TYPE = 30


def setup_inputs(seed: int = 0) -> dict:
    key = jax.random.key(seed)
    k1, k2, k3 = jax.random.split(key, 3)
    node_type = jax.random.randint(k1, (N_NODES,), 0, MAX_NODE_TYPE, dtype=jnp.int32)
    edge_index = jax.random.randint(k2, (2, N_EDGES), 0, N_NODES, dtype=jnp.int32)
    table = jax.random.normal(k3, (EDGE_NUM, DIM), dtype=jnp.float32) * 0.02
    # padding_idx=0: row 0 is zeros
    table = table.at[0].set(0.0)
    return {"node_type": node_type, "edge_index": edge_index, "table": table}


def gen_uniq_from_nums(a, b):
    # Cantor pairing: (a + b) * (a + b + 1) / 2 + b
    s = a + b
    return (s * (s + 1)) // 2 + b


def reference(node_type, edge_index, table):
    src = edge_index[0]
    dst = edge_index[1]
    atom_type_x = jnp.take(node_type, src, axis=0)
    atom_type_y = jnp.take(node_type, dst, axis=0)
    edge_type = gen_uniq_from_nums(atom_type_x, atom_type_y).astype(jnp.int32)
    # enforce padding_idx=0 semantics (row 0 fixed at zero)
    table_eff = table.at[0].set(0.0)
    return jnp.take(table_eff, edge_type, axis=0)

if __name__ == "__main__":
    import jax
    _d = setup_inputs()
    print(jax.jit(kernel)(*tuple(_d.values())))

</pallas_src>

<mosaic_0001>
#map = affine_map<(d0, d1) -> (0)>
#map1 = affine_map<(d0, d1) -> (0, 0)>
module attributes {stable_mosaic.version = 14 : i64} {
  func.func @_sc_body(%arg0: i32, %arg1: i32, %arg2: memref<10000xi32, #tpu.memory_space<hbm>>, %arg3: memref<2x320000xi32, #tpu.memory_space<hbm>>, %arg4: memref<3000x128xf32, #tpu.memory_space<hbm>>, %arg5: memref<320000x128xf32, #tpu.memory_space<hbm>>, %arg6: memref<10000xi32, #tpu.memory_space<vmem>>, %arg7: memref<2x10112xi32, #tpu.memory_space<vmem>>, %arg8: memref<10000xi32, #tpu.memory_space<vmem>>, %arg9: memref<4x64x128xf32, #tpu.memory_space<vmem>>, %arg10: memref<3000x128xf32, #tpu.memory_space<vmem_shared>>, %arg11: memref<!tpu.dma_semaphore, #tpu.memory_space<semaphore_mem>>, %arg12: memref<4x!tpu.dma_semaphore, #tpu.memory_space<semaphore_mem>>, %arg13: memref<4x!tpu.dma_semaphore, #tpu.memory_space<semaphore_mem>>) attributes {dimension_semantics = [#tpu.dimension_semantics<core_parallel>, #tpu.dimension_semantics<subcore_parallel>], iteration_bounds = array<i64: 2, 16>, scalar_prefetch = 0 : i64, scratch_operands = 8 : i64, tpu.core_type = #tpu.core_type<sc_vector_subcore>, window_params = [{transform_indices = #map}, {transform_indices = #map1}, {transform_indices = #map1}, {transform_indices = #map1}]} {
    %mul3A = arith.constant 2 : i32
    %mul3A_0 = arith.muli %arg1, %mul3A : i32
    %add3A = arith.addi %mul3A_0, %arg0 : i32
    %mul3A_1 = arith.constant 10000 : i32
    %mul3A_2 = arith.muli %add3A, %mul3A_1 : i32
    %rem3A = arith.constant 128 : i32
    %rem3A_3 = arith.remsi %mul3A_2, %rem3A : i32
    %sub3A = arith.subi %mul3A_2, %rem3A_3 : i32
    %multiple_of3A = tpu.assume_multiple %sub3A, 128 : i32
    %lt3A = arith.constant 7 : i32
    %lt3A_4 = arith.cmpi slt, %arg1, %lt3A : i32
    %convert_element_type3A = arith.extui %lt3A_4 : i1 to i32
    %cond3A = arith.constant 0 : i32
    %cond3A_5 = arith.cmpi ne, %convert_element_type3A, %cond3A : i32
    scf.if %cond3A_5 {
      %mul3A_343 = arith.constant 384 : i32
      %mul3A_344 = arith.muli %arg1, %mul3A_343 : i32
      "tpu.region"() ({
        %run_scoped3A = tpu.sem_alloc : memref<!tpu.dma_semaphore, #tpu.memory_space<semaphore_mem>>
        %dma_start3A_345 = arith.constant 0 : i32
        %dma_start3A_346 = tpu.memref_slice %arg10[%mul3A_344, %dma_start3A_345] : memref<3000x128xf32, #tpu.memory_space<vmem_shared>> -> memref<384x128xf32, #tpu.memory_space<vmem_shared>>
        %dma_start3A_347 = arith.constant 0 : i32
        %dma_start3A_348 = tpu.memref_slice %arg4[%mul3A_344, %dma_start3A_347] : memref<3000x128xf32, #tpu.memory_space<hbm>> -> memref<384x128xf32, #tpu.memory_space<hbm>>
        tpu.enqueue_dma source(%dma_start3A_348 : memref<384x128xf32, #tpu.memory_space<hbm>>) target(%dma_start3A_346 : memref<384x128xf32, #tpu.memory_space<vmem_shared>>) target_semaphore(%run_scoped3A : memref<!tpu.dma_semaphore, #tpu.memory_space<semaphore_mem>>)
        %dma_wait3A_349 = arith.constant 0 : i32
        %dma_wait3A_350 = tpu.memref_slice %arg10[%mul3A_344, %dma_wait3A_349] : memref<3000x128xf32, #tpu.memory_space<vmem_shared>> -> memref<384x128xf32, #tpu.memory_space<vmem_shared>>
        %dma_wait3A_351 = arith.constant 0 : i32
        %dma_wait3A_352 = tpu.memref_slice %arg4[%mul3A_344, %dma_wait3A_351] : memref<3000x128xf32, #tpu.memory_space<hbm>> -> memref<384x128xf32, #tpu.memory_space<hbm>>
        tpu.wait_dma2 semaphore(%run_scoped3A : memref<!tpu.dma_semaphore, #tpu.memory_space<semaphore_mem>>) src(%dma_wait3A_352 : memref<384x128xf32, #tpu.memory_space<hbm>>) dst(%dma_wait3A_350 : memref<384x128xf32, #tpu.memory_space<vmem_shared>>)
        tpu.yield
      }) : () -> ()
    } else {
    }
    %eq3A = arith.constant 7 : i32
    %eq3A_6 = arith.cmpi eq, %arg1, %eq3A : i32
    %convert_element_type3A_7 = arith.extui %eq3A_6 : i1 to i32
    %cond3A_8 = arith.constant 0 : i32
    %cond3A_9 = arith.cmpi ne, %convert_element_type3A_7, %cond3A_8 : i32
    scf.if %cond3A_9 {
      "tpu.region"() ({
        %run_scoped3A = tpu.sem_alloc : memref<!tpu.dma_semaphore, #tpu.memory_space<semaphore_mem>>
        %dma_start3A_343 = arith.constant 2688 : i32
        %dma_start3A_344 = arith.constant 0 : i32
        %dma_start3A_345 = tpu.memref_slice %arg10[%dma_start3A_343, %dma_start3A_344] : memref<3000x128xf32, #tpu.memory_space<vmem_shared>> -> memref<312x128xf32, #tpu.memory_space<vmem_shared>>
        %dma_start3A_346 = arith.constant 2688 : i32
        %dma_start3A_347 = arith.constant 0 : i32
        %dma_start3A_348 = tpu.memref_slice %arg4[%dma_start3A_346, %dma_start3A_347] : memref<3000x128xf32, #tpu.memory_space<hbm>> -> memref<312x128xf32, #tpu.memory_space<hbm>>
        tpu.enqueue_dma source(%dma_start3A_348 : memref<312x128xf32, #tpu.memory_space<hbm>>) target(%dma_start3A_345 : memref<312x128xf32, #tpu.memory_space<vmem_shared>>) target_semaphore(%run_scoped3A : memref<!tpu.dma_semaphore, #tpu.memory_space<semaphore_mem>>)
        %dma_wait3A_349 = arith.constant 2688 : i32
        %dma_wait3A_350 = arith.constant 0 : i32
        %dma_wait3A_351 = tpu.memref_slice %arg10[%dma_wait3A_349, %dma_wait3A_350] : memref<3000x128xf32, #tpu.memory_space<vmem_shared>> -> memref<312x128xf32, #tpu.memory_space<vmem_shared>>
        %dma_wait3A_352 = arith.constant 2688 : i32
        %dma_wait3A_353 = arith.constant 0 : i32
        %dma_wait3A_354 = tpu.memref_slice %arg4[%dma_wait3A_352, %dma_wait3A_353] : memref<3000x128xf32, #tpu.memory_space<hbm>> -> memref<312x128xf32, #tpu.memory_space<hbm>>
        tpu.wait_dma2 semaphore(%run_scoped3A : memref<!tpu.dma_semaphore, #tpu.memory_space<semaphore_mem>>) src(%dma_wait3A_354 : memref<312x128xf32, #tpu.memory_space<hbm>>) dst(%dma_wait3A_351 : memref<312x128xf32, #tpu.memory_space<vmem_shared>>)
        tpu.yield
      }) : () -> ()
    } else {
    }
    tpu.enqueue_dma source(%arg2 : memref<10000xi32, #tpu.memory_space<hbm>>) target(%arg6 : memref<10000xi32, #tpu.memory_space<vmem>>) target_semaphore(%arg11 : memref<!tpu.dma_semaphore, #tpu.memory_space<semaphore_mem>>)
    %dma_start3A = arith.constant 0 : i32
    %dma_start3A_10 = tpu.memref_slice %arg3[%dma_start3A, %multiple_of3A] : memref<2x320000xi32, #tpu.memory_space<hbm>> -> memref<2x10112xi32, #tpu.memory_space<hbm>>
    %dma_start3A_11 = arith.constant 0 : i32
    %dma_start3A_12 = tpu.memref_slice %arg3[%dma_start3A_11, %multiple_of3A] : memref<2x320000xi32, #tpu.memory_space<hbm>> -> memref<2x10112xi32, #tpu.memory_space<hbm>>
    tpu.enqueue_dma source(%dma_start3A_12 : memref<2x10112xi32, #tpu.memory_space<hbm>>) target(%arg7 : memref<2x10112xi32, #tpu.memory_space<vmem>>) target_semaphore(%arg11 : memref<!tpu.dma_semaphore, #tpu.memory_space<semaphore_mem>>)
    tpu.wait_dma2 semaphore(%arg11 : memref<!tpu.dma_semaphore, #tpu.memory_space<semaphore_mem>>) src(%arg2 : memref<10000xi32, #tpu.memory_space<hbm>>) dst(%arg6 : memref<10000xi32, #tpu.memory_space<vmem>>)
    %dma_wait3A = arith.constant 0 : i32
    %dma_wait3A_13 = tpu.memref_slice %arg3[%dma_wait3A, %multiple_of3A] : memref<2x320000xi32, #tpu.memory_space<hbm>> -> memref<2x10112xi32, #tpu.memory_space<hbm>>
    %dma_wait3A_14 = arith.constant 0 : i32
    %dma_wait3A_15 = tpu.memref_slice %arg3[%dma_wait3A_14, %multiple_of3A] : memref<2x320000xi32, #tpu.memory_space<hbm>> -> memref<2x10112xi32, #tpu.memory_space<hbm>>
    tpu.wait_dma2 semaphore(%arg11 : memref<!tpu.dma_semaphore, #tpu.memory_space<semaphore_mem>>) src(%dma_wait3A_15 : memref<2x10112xi32, #tpu.memory_space<hbm>>) dst(%arg7 : memref<2x10112xi32, #tpu.memory_space<vmem>>)
    %barrier3A = arith.constant 0 : index
    tpu.barrier barrier_id(%barrier3A)
    %parallel_loop3A = arith.constant 0 : i32
    %parallel_loop3A_16 = arith.constant 64 : i32
    %parallel_loop3A_17 = arith.constant 16 : i32
    scf.for %parallel_loop3A_343 = %parallel_loop3A to %parallel_loop3A_16 step %parallel_loop3A_17  : i32 {
      %parallel_loop3A_344 = arith.constant 0 : i32
      %parallel_loop3A_345 = arith.addi %rem3A_3, %parallel_loop3A_344 : i32
      %parallel_loop3A_346 = arith.addi %parallel_loop3A_345, %parallel_loop3A_343 : i32
      %parallel_loop3A_347 = arith.constant 0 : i32
      %parallel_loop3A_348 = arith.index_cast %parallel_loop3A_347 : i32 to index
      %parallel_loop3A_349 = arith.index_cast %parallel_loop3A_346 : i32 to index
      %parallel_loop3A_350 = tpu.vector_load %arg7[%parallel_loop3A_348, %parallel_loop3A_349] {strides = array<i32>} : memref<2x10112xi32, #tpu.memory_space<vmem>>, vector<16xi32>,
      %parallel_loop3A_351 = tpu.vector_load_idx %arg6[%parallel_loop3A_350] : memref<10000xi32, #tpu.memory_space<vmem>>[vector<16xi32>], vector<16xi32>,
      %parallel_loop3A_352 = arith.constant 1 : i32
      %parallel_loop3A_353 = arith.index_cast %parallel_loop3A_352 : i32 to index
      %parallel_loop3A_354 = arith.index_cast %parallel_loop3A_346 : i32 to index
      %parallel_loop3A_355 = tpu.vector_load %arg7[%parallel_loop3A_353, %parallel_loop3A_354] {strides = array<i32>} : memref<2x10112xi32, #tpu.memory_space<vmem>>, vector<16xi32>,
      %parallel_loop3A_356 = tpu.vector_load_idx %arg6[%parallel_loop3A_355] : memref<10000xi32, #tpu.memory_space<vmem>>[vector<16xi32>], vector<16xi32>,
      %parallel_loop3A_357 = arith.addi %parallel_loop3A_351, %parallel_loop3A_356 : vector<16xi32>
      %parallel_loop3A_358 = arith.constant 1 : i32
      %parallel_loop3A_359 = vector.broadcast %parallel_loop3A_358 : i32 to vector<16xi32>
      %parallel_loop3A_360 = arith.addi %parallel_loop3A_357, %parallel_loop3A_359 : vector<16xi32>
      %parallel_loop3A_361 = arith.muli %parallel_loop3A_357, %parallel_loop3A_360 : vector<16xi32>
      %parallel_loop3A_362 = arith.constant 1 : i32
      %parallel_loop3A_363 = vector.broadcast %parallel_loop3A_362 : i32 to vector<16xi32>
      %parallel_loop3A_364 = arith.shrui %parallel_loop3A_361, %parallel_loop3A_363 : vector<16xi32>
      %parallel_loop3A_365 = arith.addi %parallel_loop3A_364, %parallel_loop3A_356 : vector<16xi32>
      %parallel_loop3A_366 = arith.constant 0 : i32
      %parallel_loop3A_367 = arith.addi %parallel_loop3A_366, %parallel_loop3A_343 : i32
      %parallel_loop3A_368 = arith.index_cast %parallel_loop3A_367 : i32 to index
      %parallel_loop3A_369 = tpu.vector_load %arg8[%parallel_loop3A_368] {strides = array<i32>} : memref<10000xi32, #tpu.memory_space<vmem>>, vector<16xi32>,
      tpu.vector_store %arg8[%parallel_loop3A_368], %parallel_loop3A_365 {strides = array<i32>} : memref<10000xi32, #tpu.memory_space<vmem>>, vector<16xi32>,
    } {sc.loop_unroll_factor = 4 : i64, sc.parallel_access}
    %dma_start3A_18 = arith.constant 0 : i32
    %dma_start3A_19 = arith.constant 0 : i32
    %dma_start3A_20 = arith.constant 0 : i32
    %dma_start3A_21 = arith.constant 0 : i32
    %dma_start3A_22 = tpu.memref_slice %arg9[%dma_start3A_18, %dma_start3A_20, %dma_start3A_21] : memref<4x64x128xf32, #tpu.memory_space<vmem>> -> memref<1x64x128xf32, #tpu.memory_space<vmem>>
    %dma_start3A_23 = tpu.memref_squeeze %dma_start3A_22 : memref<1x64x128xf32, #tpu.memory_space<vmem>> -> memref<64x128xf32, #tpu.memory_space<vmem>>
    %dma_start3A_24 = arith.constant 0 : i32
    %dma_start3A_25 = tpu.memref_slice %arg8[%dma_start3A_24] : memref<10000xi32, #tpu.memory_space<vmem>> -> memref<64xi32, #tpu.memory_space<vmem>>
    %dma_start3A_26 = arith.constant 0 : i32
    %dma_start3A_27 = arith.constant 0 : i32
    %dma_start3A_28 = tpu.memref_slice %arg10[%dma_start3A_26, %dma_start3A_27] : memref<3000x128xf32, #tpu.memory_space<vmem_shared>> -> memref<3000x128xf32, #tpu.memory_space<vmem_shared>>
    %dma_start3A_29 = tpu.memref_slice %arg12[%dma_start3A_19] : memref<4x!tpu.dma_semaphore, #tpu.memory_space<semaphore_mem>> -> memref<1x!tpu.dma_semaphore, #tpu.memory_space<semaphore_mem>>
    %dma_start3A_30 = tpu.memref_squeeze %dma_start3A_29 : memref<1x!tpu.dma_semaphore, #tpu.memory_space<semaphore_mem>> -> memref<!tpu.dma_semaphore, #tpu.memory_space<semaphore_mem>>
    tpu.enqueue_indirect_dma source(%dma_start3A_28 : memref<3000x128xf32, #tpu.memory_space<vmem_shared>>) target(%dma_start3A_23 : memref<64x128xf32, #tpu.memory_space<vmem>>) offsets(%dma_start3A_25 : memref<64xi32, #tpu.memory_space<vmem>>) semaphore(%dma_start3A_30 : memref<!tpu.dma_semaphore, #tpu.memory_space<semaphore_mem>>)
    %parallel_loop3A_31 = arith.constant 0 : i32
    %parallel_loop3A_32 = arith.constant 64 : i32
    %parallel_loop3A_33 = arith.constant 16 : i32
    scf.for %parallel_loop3A_343 = %parallel_loop3A_31 to %parallel_loop3A_32 step %parallel_loop3A_33  : i32 {
      %parallel_loop3A_344 = arith.constant 64 : i32
      %parallel_loop3A_345 = arith.addi %rem3A_3, %parallel_loop3A_344 : i32
      %parallel_loop3A_346 = arith.addi %parallel_loop3A_345, %parallel_loop3A_343 : i32
      %parallel_loop3A_347 = arith.constant 0 : i32
      %parallel_loop3A_348 = arith.index_cast %parallel_loop3A_347 : i32 to index
      %parallel_loop3A_349 = arith.index_cast %parallel_loop3A_346 : i32 to index
      %parallel_loop3A_350 = tpu.vector_load %arg7[%parallel_loop3A_348, %parallel_loop3A_349] {strides = array<i32>} : memref<2x10112xi32, #tpu.memory_space<vmem>>, vector<16xi32>,
      %parallel_loop3A_351 = tpu.vector_load_idx %arg6[%parallel_loop3A_350] : memref<10000xi32, #tpu.memory_space<vmem>>[vector<16xi32>], vector<16xi32>,
      %parallel_loop3A_352 = arith.constant 1 : i32
      %parallel_loop3A_353 = arith.index_cast %parallel_loop3A_352 : i32 to index
      %parallel_loop3A_354 = arith.index_cast %parallel_loop3A_346 : i32 to index
      %parallel_loop3A_355 = tpu.vector_load %arg7[%parallel_loop3A_353, %parallel_loop3A_354] {strides = array<i32>} : memref<2x10112xi32, #tpu.memory_space<vmem>>, vector<16xi32>,
      %parallel_loop3A_356 = tpu.vector_load_idx %arg6[%parallel_loop3A_355] : memref<10000xi32, #tpu.memory_space<vmem>>[vector<16xi32>], vector<16xi32>,
      %parallel_loop3A_357 = arith.addi %parallel_loop3A_351, %parallel_loop3A_356 : vector<16xi32>
      %parallel_loop3A_358 = arith.constant 1 : i32
      %parallel_loop3A_359 = vector.broadcast %parallel_loop3A_358 : i32 to vector<16xi32>
      %parallel_loop3A_360 = arith.addi %parallel_loop3A_357, %parallel_loop3A_359 : vector<16xi32>
      %parallel_loop3A_361 = arith.muli %parallel_loop3A_357, %parallel_loop3A_360 : vector<16xi32>
      %parallel_loop3A_362 = arith.constant 1 : i32
      %parallel_loop3A_363 = vector.broadcast %parallel_loop3A_362 : i32 to vector<16xi32>
      %parallel_loop3A_364 = arith.shrui %parallel_loop3A_361, %parallel_loop3A_363 : vector<16xi32>
      %parallel_loop3A_365 = arith.addi %parallel_loop3A_364, %parallel_loop3A_356 : vector<16xi32>
      %parallel_loop3A_366 = arith.constant 64 : i32
      %parallel_loop3A_367 = arith.addi %parallel_loop3A_366, %parallel_loop3A_343 : i32
      %parallel_loop3A_368 = arith.index_cast %parallel_loop3A_367 : i32 to index
      %parallel_loop3A_369 = tpu.vector_load %arg8[%parallel_loop3A_368] {strides = array<i32>} : memref<10000xi32, #tpu.memory_space<vmem>>, vector<16xi32>,
      tpu.vector_store %arg8[%parallel_loop3A_368], %parallel_loop3A_365 {strides = array<i32>} : memref<10000xi32, #tpu.memory_space<vmem>>, vector<16xi32>,
    } {sc.loop_unroll_factor = 4 : i64, sc.parallel_access}
    %dma_start3A_34 = arith.constant 1 : i32
    %dma_start3A_35 = arith.constant 1 : i32
    %dma_start3A_36 = arith.constant 0 : i32
    %dma_start3A_37 = arith.constant 0 : i32
    %dma_start3A_38 = tpu.memref_slice %arg9[%dma_start3A_34, %dma_start3A_36, %dma_start3A_37] : memref<4x64x128xf32, #tpu.memory_space<vmem>> -> memref<1x64x128xf32, #tpu.memory_space<vmem>>
    %dma_start3A_39 = tpu.memref_squeeze %dma_start3A_38 : memref<1x64x128xf32, #tpu.memory_space<vmem>> -> memref<64x128xf32, #tpu.memory_space<vmem>>
    %dma_start3A_40 = arith.constant 64 : i32
    %dma_start3A_41 = tpu.memref_slice %arg8[%dma_start3A_40] : memref<10000xi32, #tpu.memory_space<vmem>> -> memref<64xi32, #tpu.memory_space<vmem>>
    %dma_start3A_42 = arith.constant 0 : i32
    %dma_start3A_43 = arith.constant 0 : i32
    %dma_start3A_44 = tpu.memref_slice %arg10[%dma_start3A_42, %dma_start3A_43] : memref<3000x128xf32, #tpu.memory_space<vmem_shared>> -> memref<3000x128xf32, #tpu.memory_space<vmem_shared>>
    %dma_start3A_45 = tpu.memref_slice %arg12[%dma_start3A_35] : memref<4x!tpu.dma_semaphore, #tpu.memory_space<semaphore_mem>> -> memref<1x!tpu.dma_semaphore, #tpu.memory_space<semaphore_mem>>
    %dma_start3A_46 = tpu.memref_squeeze %dma_start3A_45 : memref<1x!tpu.dma_semaphore, #tpu.memory_space<semaphore_mem>> -> memref<!tpu.dma_semaphore, #tpu.memory_space<semaphore_mem>>
    tpu.enqueue_indirect_dma source(%dma_start3A_44 : memref<3000x128xf32, #tpu.memory_space<vmem_shared>>) target(%dma_start3A_39 : memref<64x128xf32, #tpu.memory_space<vmem>>) offsets(%dma_start3A_41 : memref<64xi32, #tpu.memory_space<vmem>>) semaphore(%dma_start3A_46 : memref<!tpu.dma_semaphore, #tpu.memory_space<semaphore_mem>>)
    %dma_wait3A_47 = arith.constant 0 : i32
    %dma_wait3A_48 = arith.constant 0 : i32
    %dma_wait3A_49 = arith.constant 0 : i32
    %dma_wait3A_50 = arith.constant 0 : i32
    %dma_wait3A_51 = tpu.memref_slice %arg9[%dma_wait3A_47, %dma_wait3A_49, %dma_wait3A_50] : memref<4x64x128xf32, #tpu.memory_space<vmem>> -> memref<1x64x128xf32, #tpu.memory_space<vmem>>
    %dma_wait3A_52 = tpu.memref_squeeze %dma_wait3A_51 : memref<1x64x128xf32, #tpu.memory_space<vmem>> -> memref<64x128xf32, #tpu.memory_space<vmem>>
    %dma_wait3A_53 = arith.constant 0 : i32
    %dma_wait3A_54 = tpu.memref_slice %arg8[%dma_wait3A_53] : memref<10000xi32, #tpu.memory_space<vmem>> -> memref<64xi32, #tpu.memory_space<vmem>>
    %dma_wait3A_55 = arith.constant 0 : i32
    %dma_wait3A_56 = arith.constant 0 : i32
    %dma_wait3A_57 = tpu.memref_slice %arg10[%dma_wait3A_55, %dma_wait3A_56] : memref<3000x128xf32, #tpu.memory_space<vmem_shared>> -> memref<3000x128xf32, #tpu.memory_space<vmem_shared>>
    %dma_wait3A_58 = tpu.memref_slice %arg12[%dma_wait3A_48] : memref<4x!tpu.dma_semaphore, #tpu.memory_space<semaphore_mem>> -> memref<1x!tpu.dma_semaphore, #tpu.memory_space<semaphore_mem>>
    %dma_wait3A_59 = tpu.memref_squeeze %dma_wait3A_58 : memref<1x!tpu.dma_semaphore, #tpu.memory_space<semaphore_mem>> -> memref<!tpu.dma_semaphore, #tpu.memory_space<semaphore_mem>>
    tpu.wait_indirect_dma semaphore(%dma_wait3A_59 : memref<!tpu.dma_semaphore, #tpu.memory_space<semaphore_mem>>) src(%dma_wait3A_57 : memref<3000x128xf32, #tpu.memory_space<vmem_shared>>) dst(%dma_wait3A_52 : memref<64x128xf32, #tpu.memory_space<vmem>>)
    %add3A_60 = arith.constant 0 : i32
    %add3A_61 = arith.addi %mul3A_2, %add3A_60 : i32
    %dma_start3A_62 = arith.constant 0 : i32
    %dma_start3A_63 = arith.constant 0 : i32
    %dma_start3A_64 = arith.constant 0 : i32
    %dma_start3A_65 = arith.constant 0 : i32
    %dma_start3A_66 = tpu.memref_slice %arg9[%dma_start3A_62, %dma_start3A_64, %dma_start3A_65] : memref<4x64x128xf32, #tpu.memory_space<vmem>> -> memref<1x64x128xf32, #tpu.memory_space<vmem>>
    %dma_start3A_67 = tpu.memref_squeeze %dma_start3A_66 : memref<1x64x128xf32, #tpu.memory_space<vmem>> -> memref<64x128xf32, #tpu.memory_space<vmem>>
    %dma_start3A_68 = arith.constant 0 : i32
    %dma_start3A_69 = tpu.memref_slice %arg5[%add3A_61, %dma_start3A_68] : memref<320000x128xf32, #tpu.memory_space<hbm>> -> memref<64x128xf32, #tpu.memory_space<hbm>>
    %dma_start3A_70 = tpu.memref_slice %arg13[%dma_start3A_63] : memref<4x!tpu.dma_semaphore, #tpu.memory_space<semaphore_mem>> -> memref<1x!tpu.dma_semaphore, #tpu.memory_space<semaphore_mem>>
    %dma_start3A_71 = tpu.memref_squeeze %dma_start3A_70 : memref<1x!tpu.dma_semaphore, #tpu.memory_space<semaphore_mem>> -> memref<!tpu.dma_semaphore, #tpu.memory_space<semaphore_mem>>
    %dma_start3A_72 = arith.constant 0 : i32
    %dma_start3A_73 = tpu.memref_slice %arg5[%add3A_61, %dma_start3A_72] : memref<320000x128xf32, #tpu.memory_space<hbm>> -> memref<64x128xf32, #tpu.memory_space<hbm>>
    %dma_start3A_74 = arith.constant 0 : i32
    %dma_start3A_75 = arith.constant 0 : i32
    %dma_start3A_76 = tpu.memref_slice %arg9[%dma_start3A_62, %dma_start3A_74, %dma_start3A_75] : memref<4x64x128xf32, #tpu.memory_space<vmem>> -> memref<1x64x128xf32, #tpu.memory_space<vmem>>
    %dma_start3A_77 = tpu.memref_squeeze %dma_start3A_76 : memref<1x64x128xf32, #tpu.memory_space<vmem>> -> memref<64x128xf32, #tpu.memory_space<vmem>>
    tpu.enqueue_dma source(%dma_start3A_77 : memref<64x128xf32, #tpu.memory_space<vmem>>) target(%dma_start3A_73 : memref<64x128xf32, #tpu.memory_space<hbm>>) target_semaphore(%dma_start3A_71 : memref<!tpu.dma_semaphore, #tpu.memory_space<semaphore_mem>>)
    %parallel_loop3A_78 = arith.constant 0 : i32
    %parallel_loop3A_79 = arith.constant 64 : i32
    %parallel_loop3A_80 = arith.constant 16 : i32
    scf.for %parallel_loop3A_343 = %parallel_loop3A_78 to %parallel_loop3A_79 step %parallel_loop3A_80  : i32 {
      %parallel_loop3A_344 = arith.constant 128 : i32
      %parallel_loop3A_345 = arith.addi %rem3A_3, %parallel_loop3A_344 : i32
      %parallel_loop3A_346 = arith.addi %parallel_loop3A_345, %parallel_loop3A_343 : i32
      %parallel_loop3A_347 = arith.constant 0 : i32
      %parallel_loop3A_348 = arith.index_cast %parallel_loop3A_347 : i32 to index
      %parallel_loop3A_349 = arith.index_cast %parallel_loop3A_346 : i32 to index
      %parallel_loop3A_350 = tpu.vector_load %arg7[%parallel_loop3A_348, %parallel_loop3A_349] {strides = array<i32>} : memref<2x10112xi32, #tpu.memory_space<vmem>>, vector<16xi32>,
      %parallel_loop3A_351 = tpu.vector_load_idx %arg6[%parallel_loop3A_350] : memref<10000xi32, #tpu.memory_space<vmem>>[vector<16xi32>], vector<16xi32>,
      %parallel_loop3A_352 = arith.constant 1 : i32
      %parallel_loop3A_353 = arith.index_cast %parallel_loop3A_352 : i32 to index
      %parallel_loop3A_354 = arith.index_cast %parallel_loop3A_346 : i32 to index
      %parallel_loop3A_355 = tpu.vector_load %arg7[%parallel_loop3A_353, %parallel_loop3A_354] {strides = array<i32>} : memref<2x10112xi32, #tpu.memory_space<vmem>>, vector<16xi32>,
      %parallel_loop3A_356 = tpu.vector_load_idx %arg6[%parallel_loop3A_355] : memref<10000xi32, #tpu.memory_space<vmem>>[vector<16xi32>], vector<16xi32>,
      %parallel_loop3A_357 = arith.addi %parallel_loop3A_351, %parallel_loop3A_356 : vector<16xi32>
      %parallel_loop3A_358 = arith.constant 1 : i32
      %parallel_loop3A_359 = vector.broadcast %parallel_loop3A_358 : i32 to vector<16xi32>
      %parallel_loop3A_360 = arith.addi %parallel_loop3A_357, %parallel_loop3A_359 : vector<16xi32>
      %parallel_loop3A_361 = arith.muli %parallel_loop3A_357, %parallel_loop3A_360 : vector<16xi32>
      %parallel_loop3A_362 = arith.constant 1 : i32
      %parallel_loop3A_363 = vector.broadcast %parallel_loop3A_362 : i32 to vector<16xi32>
      %parallel_loop3A_364 = arith.shrui %parallel_loop3A_361, %parallel_loop3A_363 : vector<16xi32>
      %parallel_loop3A_365 = arith.addi %parallel_loop3A_364, %parallel_loop3A_356 : vector<16xi32>
      %parallel_loop3A_366 = arith.constant 128 : i32
      %parallel_loop3A_367 = arith.addi %parallel_loop3A_366, %parallel_loop3A_343 : i32
      %parallel_loop3A_368 = arith.index_cast %parallel_loop3A_367 : i32 to index
      %parallel_loop3A_369 = tpu.vector_load %arg8[%parallel_loop3A_368] {strides = array<i32>} : memref<10000xi32, #tpu.memory_space<vmem>>, vector<16xi32>,
      tpu.vector_store %arg8[%parallel_loop3A_368], %parallel_loop3A_365 {strides = array<i32>} : memref<10000xi32, #tpu.memory_space<vmem>>, vector<16xi32>,
    } {sc.loop_unroll_factor = 4 : i64, sc.parallel_access}
    %dma_start3A_81 = arith.constant 2 : i32
    %dma_start3A_82 = arith.constant 2 : i32
    %dma_start3A_83 = arith.constant 0 : i32
    %dma_start3A_84 = arith.constant 0 : i32
    %dma_start3A_85 = tpu.memref_slice %arg9[%dma_start3A_81, %dma_start3A_83, %dma_start3A_84] : memref<4x64x128xf32, #tpu.memory_space<vmem>> -> memref<1x64x128xf32, #tpu.memory_space<vmem>>
    %dma_start3A_86 = tpu.memref_squeeze %dma_start3A_85 : memref<1x64x128xf32, #tpu.memory_space<vmem>> -> memref<64x128xf32, #tpu.memory_space<vmem>>
    %dma_start3A_87 = arith.constant 128 : i32
    %dma_start3A_88 = tpu.memref_slice %arg8[%dma_start3A_87] : memref<10000xi32, #tpu.memory_space<vmem>> -> memref<64xi32, #tpu.memory_space<vmem>>
    %dma_start3A_89 = arith.constant 0 : i32
    %dma_start3A_90 = arith.constant 0 : i32
    %dma_start3A_91 = tpu.memref_slice %arg10[%dma_start3A_89, %dma_start3A_90] : memref<3000x128xf32, #tpu.memory_space<vmem_shared>> -> memref<3000x128xf32, #tpu.memory_space<vmem_shared>>
    %dma_start3A_92 = tpu.memref_slice %arg12[%dma_start3A_82] : memref<4x!tpu.dma_semaphore, #tpu.memory_space<semaphore_mem>> -> memref<1x!tpu.dma_semaphore, #tpu.memory_space<semaphore_mem>>
    %dma_start3A_93 = tpu.memref_squeeze %dma_start3A_92 : memref<1x!tpu.dma_semaphore, #tpu.memory_space<semaphore_mem>> -> memref<!tpu.dma_semaphore, #tpu.memory_space<semaphore_mem>>
    tpu.enqueue_indirect_dma source(%dma_start3A_91 : memref<3000x128xf32, #tpu.memory_space<vmem_shared>>) target(%dma_start3A_86 : memref<64x128xf32, #tpu.memory_space<vmem>>) offsets(%dma_start3A_88 : memref<64xi32, #tpu.memory_space<vmem>>) semaphore(%dma_start3A_93 : memref<!tpu.dma_semaphore, #tpu.memory_space<semaphore_mem>>)
    %dma_wait3A_94 = arith.constant 1 : i32
    %dma_wait3A_95 = arith.constant 1 : i32
    %dma_wait3A_96 = arith.constant 0 : i32
    %dma_wait3A_97 = arith.constant 0 : i32
    %dma_wait3A_98 = tpu.memref_slice %arg9[%dma_wait3A_94, %dma_wait3A_96, %dma_wait3A_97] : memref<4x64x128xf32, #tpu.memory_space<vmem>> -> memref<1x64x128xf32, #tpu.memory_space<vmem>>
    %dma_wait3A_99 = tpu.memref_squeeze %dma_wait3A_98 : memref<1x64x128xf32, #tpu.memory_space<vmem>> -> memref<64x128xf32, #tpu.memory_space<vmem>>
    %dma_wait3A_100 = arith.constant 64 : i32
    %dma_wait3A_101 = tpu.memref_slice %arg8[%dma_wait3A_100] : memref<10000xi32, #tpu.memory_space<vmem>> -> memref<64xi32, #tpu.memory_space<vmem>>
    %dma_wait3A_102 = arith.constant 0 : i32
    %dma_wait3A_103 = arith.constant 0 : i32
    %dma_wait3A_104 = tpu.memref_slice %arg10[%dma_wait3A_102, %dma_wait3A_103] : memref<3000x128xf32, #tpu.memory_space<vmem_shared>> -> memref<3000x128xf32, #tpu.memory_space<vmem_shared>>
    %dma_wait3A_105 = tpu.memref_slice %arg12[%dma_wait3A_95] : memref<4x!tpu.dma_semaphore, #tpu.memory_space<semaphore_mem>> -> memref<1x!tpu.dma_semaphore, #tpu.memory_space<semaphore_mem>>
    %dma_wait3A_106 = tpu.memref_squeeze %dma_wait3A_105 : memref<1x!tpu.dma_semaphore, #tpu.memory_space<semaphore_mem>> -> memref<!tpu.dma_semaphore, #tpu.memory_space<semaphore_mem>>
    tpu.wait_indirect_dma semaphore(%dma_wait3A_106 : memref<!tpu.dma_semaphore, #tpu.memory_space<semaphore_mem>>) src(%dma_wait3A_104 : memref<3000x128xf32, #tpu.memory_space<vmem_shared>>) dst(%dma_wait3A_99 : memref<64x128xf32, #tpu.memory_space<vmem>>)
    %add3A_107 = arith.constant 64 : i32
    %add3A_108 = arith.addi %mul3A_2, %add3A_107 : i32
    %dma_start3A_109 = arith.constant 1 : i32
    %dma_start3A_110 = arith.constant 1 : i32
    %dma_start3A_111 = arith.constant 0 : i32
    %dma_start3A_112 = arith.constant 0 : i32
    %dma_start3A_113 = tpu.memref_slice %arg9[%dma_start3A_109, %dma_start3A_111, %dma_start3A_112] : memref<4x64x128xf32, #tpu.memory_space<vmem>> -> memref<1x64x128xf32, #tpu.memory_space<vmem>>
    %dma_start3A_114 = tpu.memref_squeeze %dma_start3A_113 : memref<1x64x128xf32, #tpu.memory_space<vmem>> -> memref<64x128xf32, #tpu.memory_space<vmem>>
    %dma_start3A_115 = arith.constant 0 : i32
    %dma_start3A_116 = tpu.memref_slice %arg5[%add3A_108, %dma_start3A_115] : memref<320000x128xf32, #tpu.memory_space<hbm>> -> memref<64x128xf32, #tpu.memory_space<hbm>>
    %dma_start3A_117 = tpu.memref_slice %arg13[%dma_start3A_110] : memref<4x!tpu.dma_semaphore, #tpu.memory_space<semaphore_mem>> -> memref<1x!tpu.dma_semaphore, #tpu.memory_space<semaphore_mem>>
    %dma_start3A_118 = tpu.memref_squeeze %dma_start3A_117 : memref<1x!tpu.dma_semaphore, #tpu.memory_space<semaphore_mem>> -> memref<!tpu.dma_semaphore, #tpu.memory_space<semaphore_mem>>
    %dma_start3A_119 = arith.constant 0 : i32
    %dma_start3A_120 = tpu.memref_slice %arg5[%add3A_108, %dma_start3A_119] : memref<320000x128xf32, #tpu.memory_space<hbm>> -> memref<64x128xf32, #tpu.memory_space<hbm>>
    %dma_start3A_121 = arith.constant 0 : i32
    %dma_start3A_122 = arith.constant 0 : i32
    %dma_start3A_123 = tpu.memref_slice %arg9[%dma_start3A_109, %dma_start3A_121, %dma_start3A_122] : memref<4x64x128xf32, #tpu.memory_space<vmem>> -> memref<1x64x128xf32, #tpu.memory_space<vmem>>
    %dma_start3A_124 = tpu.memref_squeeze %dma_start3A_123 : memref<1x64x128xf32, #tpu.memory_space<vmem>> -> memref<64x128xf32, #tpu.memory_space<vmem>>
    tpu.enqueue_dma source(%dma_start3A_124 : memref<64x128xf32, #tpu.memory_space<vmem>>) target(%dma_start3A_120 : memref<64x128xf32, #tpu.memory_space<hbm>>) target_semaphore(%dma_start3A_118 : memref<!tpu.dma_semaphore, #tpu.memory_space<semaphore_mem>>)
    %parallel_loop3A_125 = arith.constant 0 : i32
    %parallel_loop3A_126 = arith.constant 64 : i32
    %parallel_loop3A_127 = arith.constant 16 : i32
    scf.for %parallel_loop3A_343 = %parallel_loop3A_125 to %parallel_loop3A_126 step %parallel_loop3A_127  : i32 {
      %parallel_loop3A_344 = arith.constant 192 : i32
      %parallel_loop3A_345 = arith.addi %rem3A_3, %parallel_loop3A_344 : i32
      %parallel_loop3A_346 = arith.addi %parallel_loop3A_345, %parallel_loop3A_343 : i32
      %parallel_loop3A_347 = arith.constant 0 : i32
      %parallel_loop3A_348 = arith.index_cast %parallel_loop3A_347 : i32 to index
      %parallel_loop3A_349 = arith.index_cast %parallel_loop3A_346 : i32 to index
      %parallel_loop3A_350 = tpu.vector_load %arg7[%parallel_loop3A_348, %parallel_loop3A_349] {strides = array<i32>} : memref<2x10112xi32, #tpu.memory_space<vmem>>, vector<16xi32>,
      %parallel_loop3A_351 = tpu.vector_load_idx %arg6[%parallel_loop3A_350] : memref<10000xi32, #tpu.memory_space<vmem>>[vector<16xi32>], vector<16xi32>,
      %parallel_loop3A_352 = arith.constant 1 : i32
      %parallel_loop3A_353 = arith.index_cast %parallel_loop3A_352 : i32 to index
      %parallel_loop3A_354 = arith.index_cast %parallel_loop3A_346 : i32 to index
      %parallel_loop3A_355 = tpu.vector_load %arg7[%parallel_loop3A_353, %parallel_loop3A_354] {strides = array<i32>} : memref<2x10112xi32, #tpu.memory_space<vmem>>, vector<16xi32>,
      %parallel_loop3A_356 = tpu.vector_load_idx %arg6[%parallel_loop3A_355] : memref<10000xi32, #tpu.memory_space<vmem>>[vector<16xi32>], vector<16xi32>,
      %parallel_loop3A_357 = arith.addi %parallel_loop3A_351, %parallel_loop3A_356 : vector<16xi32>
      %parallel_loop3A_358 = arith.constant 1 : i32
      %parallel_loop3A_359 = vector.broadcast %parallel_loop3A_358 : i32 to vector<16xi32>
      %parallel_loop3A_360 = arith.addi %parallel_loop3A_357, %parallel_loop3A_359 : vector<16xi32>
      %parallel_loop3A_361 = arith.muli %parallel_loop3A_357, %parallel_loop3A_360 : vector<16xi32>
      %parallel_loop3A_362 = arith.constant 1 : i32
      %parallel_loop3A_363 = vector.broadcast %parallel_loop3A_362 : i32 to vector<16xi32>
      %parallel_loop3A_364 = arith.shrui %parallel_loop3A_361, %parallel_loop3A_363 : vector<16xi32>
      %parallel_loop3A_365 = arith.addi %parallel_loop3A_364, %parallel_loop3A_356 : vector<16xi32>
      %parallel_loop3A_366 = arith.constant 192 : i32
      %parallel_loop3A_367 = arith.addi %parallel_loop3A_366, %parallel_loop3A_343 : i32
      %parallel_loop3A_368 = arith.index_cast %parallel_loop3A_367 : i32 to index
      %parallel_loop3A_369 = tpu.vector_load %arg8[%parallel_loop3A_368] {strides = array<i32>} : memref<10000xi32, #tpu.memory_space<vmem>>, vector<16xi32>,
      tpu.vector_store %arg8[%parallel_loop3A_368], %parallel_loop3A_365 {strides = array<i32>} : memref<10000xi32, #tpu.memory_space<vmem>>, vector<16xi32>,
    } {sc.loop_unroll_factor = 4 : i64, sc.parallel_access}
    %dma_start3A_128 = arith.constant 3 : i32
    %dma_start3A_129 = arith.constant 3 : i32
    %dma_start3A_130 = arith.constant 0 : i32
    %dma_start3A_131 = arith.constant 0 : i32
    %dma_start3A_132 = tpu.memref_slice %arg9[%dma_start3A_128, %dma_start3A_130, %dma_start3A_131] : memref<4x64x128xf32, #tpu.memory_space<vmem>> -> memref<1x64x128xf32, #tpu.memory_space<vmem>>
    %dma_start3A_133 = tpu.memref_squeeze %dma_start3A_132 : memref<1x64x128xf32, #tpu.memory_space<vmem>> -> memref<64x128xf32, #tpu.memory_space<vmem>>
    %dma_start3A_134 = arith.constant 192 : i32
    %dma_start3A_135 = tpu.memref_slice %arg8[%dma_start3A_134] : memref<10000xi32, #tpu.memory_space<vmem>> -> memref<64xi32, #tpu.memory_space<vmem>>
    %dma_start3A_136 = arith.constant 0 : i32
    %dma_start3A_137 = arith.constant 0 : i32
    %dma_start3A_138 = tpu.memref_slice %arg10[%dma_start3A_136, %dma_start3A_137] : memref<3000x128xf32, #tpu.memory_space<vmem_shared>> -> memref<3000x128xf32, #tpu.memory_space<vmem_shared>>
    %dma_start3A_139 = tpu.memref_slice %arg12[%dma_start3A_129] : memref<4x!tpu.dma_semaphore, #tpu.memory_space<semaphore_mem>> -> memref<1x!tpu.dma_semaphore, #tpu.memory_space<semaphore_mem>>
    %dma_start3A_140 = tpu.memref_squeeze %dma_start3A_139 : memref<1x!tpu.dma_semaphore, #tpu.memory_space<semaphore_mem>> -> memref<!tpu.dma_semaphore, #tpu.memory_space<semaphore_mem>>
    tpu.enqueue_indirect_dma source(%dma_start3A_138 : memref<3000x128xf32, #tpu.memory_space<vmem_shared>>) target(%dma_start3A_133 : memref<64x128xf32, #tpu.memory_space<vmem>>) offsets(%dma_start3A_135 : memref<64xi32, #tpu.memory_space<vmem>>) semaphore(%dma_start3A_140 : memref<!tpu.dma_semaphore, #tpu.memory_space<semaphore_mem>>)
    %scan3A = arith.constant 0 : i32
    %scan3A_141 = arith.constant 2 : i32
    %scan3A_142 = arith.constant 152 : i32
    %scan3A_143 = arith.addi %scan3A_141, %scan3A_142 : i32
    %scan3A_144 = arith.constant 1 : i32
    scf.for %scan3A_343 = %scan3A_141 to %scan3A_143 step %scan3A_144  : i32 {
      %rem3A_344 = arith.constant 4 : i32
      %rem3A_345 = arith.remsi %scan3A_343, %rem3A_344 : i32
      %mul3A_346 = arith.constant 64 : i32
      %mul3A_347 = arith.muli %scan3A_343, %mul3A_346 : i32
      %dma_wait3A_348 = arith.constant 0 : i32
      %dma_wait3A_349 = arith.constant 0 : i32
      %dma_wait3A_350 = tpu.memref_slice %arg9[%rem3A_345, %dma_wait3A_348, %dma_wait3A_349] : memref<4x64x128xf32, #tpu.memory_space<vmem>> -> memref<1x64x128xf32, #tpu.memory_space<vmem>>
      %dma_wait3A_351 = tpu.memref_squeeze %dma_wait3A_350 : memref<1x64x128xf32, #tpu.memory_space<vmem>> -> memref<64x128xf32, #tpu.memory_space<vmem>>
      %dma_wait3A_352 = tpu.memref_slice %arg8[%mul3A_347] : memref<10000xi32, #tpu.memory_space<vmem>> -> memref<64xi32, #tpu.memory_space<vmem>>
      %dma_wait3A_353 = arith.constant 0 : i32
      %dma_wait3A_354 = arith.constant 0 : i32
      %dma_wait3A_355 = tpu.memref_slice %arg10[%dma_wait3A_353, %dma_wait3A_354] : memref<3000x128xf32, #tpu.memory_space<vmem_shared>> -> memref<3000x128xf32, #tpu.memory_space<vmem_shared>>
      %dma_wait3A_356 = tpu.memref_slice %arg12[%rem3A_345] : memref<4x!tpu.dma_semaphore, #tpu.memory_space<semaphore_mem>> -> memref<1x!tpu.dma_semaphore, #tpu.memory_space<semaphore_mem>>
      %dma_wait3A_357 = tpu.memref_squeeze %dma_wait3A_356 : memref<1x!tpu.dma_semaphore, #tpu.memory_space<semaphore_mem>> -> memref<!tpu.dma_semaphore, #tpu.memory_space<semaphore_mem>>
      tpu.wait_indirect_dma semaphore(%dma_wait3A_357 : memref<!tpu.dma_semaphore, #tpu.memory_space<semaphore_mem>>) src(%dma_wait3A_355 : memref<3000x128xf32, #tpu.memory_space<vmem_shared>>) dst(%dma_wait3A_351 : memref<64x128xf32, #tpu.memory_space<vmem>>)
      %mul3A_358 = arith.constant 64 : i32
      %mul3A_359 = arith.muli %scan3A_343, %mul3A_358 : i32
      %add3A_360 = arith.addi %mul3A_2, %mul3A_359 : i32
      %dma_start3A_361 = arith.constant 0 : i32
      %dma_start3A_362 = arith.constant 0 : i32
      %dma_start3A_363 = tpu.memref_slice %arg9[%rem3A_345, %dma_start3A_361, %dma_start3A_362] : memref<4x64x128xf32, #tpu.memory_space<vmem>> -> memref<1x64x128xf32, #tpu.memory_space<vmem>>
      %dma_start3A_364 = tpu.memref_squeeze %dma_start3A_363 : memref<1x64x128xf32, #tpu.memory_space<vmem>> -> memref<64x128xf32, #tpu.memory_space<vmem>>
      %dma_start3A_365 = arith.constant 0 : i32
      %dma_start3A_366 = tpu.memref_slice %arg5[%add3A_360, %dma_start3A_365] : memref<320000x128xf32, #tpu.memory_space<hbm>> -> memref<64x128xf32, #tpu.memory_space<hbm>>
      %dma_start3A_367 = tpu.memref_slice %arg13[%rem3A_345] : memref<4x!tpu.dma_semaphore, #tpu.memory_space<semaphore_mem>> -> memref<1x!tpu.dma_semaphore, #tpu.memory_space<semaphore_mem>>
      %dma_start3A_368 = tpu.memref_squeeze %dma_start3A_367 : memref<1x!tpu.dma_semaphore, #tpu.memory_space<semaphore_mem>> -> memref<!tpu.dma_semaphore, #tpu.memory_space<semaphore_mem>>
      %dma_start3A_369 = arith.constant 0 : i32
      %dma_start3A_370 = tpu.memref_slice %arg5[%add3A_360, %dma_start3A_369] : memref<320000x128xf32, #tpu.memory_space<hbm>> -> memref<64x128xf32, #tpu.memory_space<hbm>>
      %dma_start3A_371 = arith.constant 0 : i32
      %dma_start3A_372 = arith.constant 0 : i32
      %dma_start3A_373 = tpu.memref_slice %arg9[%rem3A_345, %dma_start3A_371, %dma_start3A_372] : memref<4x64x128xf32, #tpu.memory_space<vmem>> -> memref<1x64x128xf32, #tpu.memory_space<vmem>>
      %dma_start3A_374 = tpu.memref_squeeze %dma_start3A_373 : memref<1x64x128xf32, #tpu.memory_space<vmem>> -> memref<64x128xf32, #tpu.memory_space<vmem>>
      tpu.enqueue_dma source(%dma_start3A_374 : memref<64x128xf32, #tpu.memory_space<vmem>>) target(%dma_start3A_370 : memref<64x128xf32, #tpu.memory_space<hbm>>) target_semaphore(%dma_start3A_368 : memref<!tpu.dma_semaphore, #tpu.memory_space<semaphore_mem>>)
      %add3A_375 = arith.constant 2 : i32
      %add3A_376 = arith.addi %scan3A_343, %add3A_375 : i32
      %mul3A_377 = arith.constant 64 : i32
      %mul3A_378 = arith.muli %add3A_376, %mul3A_377 : i32
      %parallel_loop3A_379 = arith.constant 0 : i32
      %parallel_loop3A_380 = arith.constant 64 : i32
      %parallel_loop3A_381 = arith.constant 16 : i32
      scf.for %parallel_loop3A_425 = %parallel_loop3A_379 to %parallel_loop3A_380 step %parallel_loop3A_381  : i32 {
        %parallel_loop3A_426 = arith.addi %rem3A_3, %mul3A_378 : i32
        %parallel_loop3A_427 = arith.addi %parallel_loop3A_426, %parallel_loop3A_425 : i32
        %parallel_loop3A_428 = arith.constant 0 : i32
        %parallel_loop3A_429 = arith.index_cast %parallel_loop3A_428 : i32 to index
        %parallel_loop3A_430 = arith.index_cast %parallel_loop3A_427 : i32 to index
        %parallel_loop3A_431 = tpu.vector_load %arg7[%parallel_loop3A_429, %parallel_loop3A_430] {strides = array<i32>} : memref<2x10112xi32, #tpu.memory_space<vmem>>, vector<16xi32>,
        %parallel_loop3A_432 = tpu.vector_load_idx %arg6[%parallel_loop3A_431] : memref<10000xi32, #tpu.memory_space<vmem>>[vector<16xi32>], vector<16xi32>,
        %parallel_loop3A_433 = arith.constant 1 : i32
        %parallel_loop3A_434 = arith.index_cast %parallel_loop3A_433 : i32 to index
        %parallel_loop3A_435 = arith.index_cast %parallel_loop3A_427 : i32 to index
        %parallel_loop3A_436 = tpu.vector_load %arg7[%parallel_loop3A_434, %parallel_loop3A_435] {strides = array<i32>} : memref<2x10112xi32, #tpu.memory_space<vmem>>, vector<16xi32>,
        %parallel_loop3A_437 = tpu.vector_load_idx %arg6[%parallel_loop3A_436] : memref<10000xi32, #tpu.memory_space<vmem>>[vector<16xi32>], vector<16xi32>,
        %parallel_loop3A_438 = arith.addi %parallel_loop3A_432, %parallel_loop3A_437 : vector<16xi32>
        %parallel_loop3A_439 = arith.constant 1 : i32
        %parallel_loop3A_440 = vector.broadcast %parallel_loop3A_439 : i32 to vector<16xi32>
        %parallel_loop3A_441 = arith.addi %parallel_loop3A_438, %parallel_loop3A_440 : vector<16xi32>
        %parallel_loop3A_442 = arith.muli %parallel_loop3A_438, %parallel_loop3A_441 : vector<16xi32>
        %parallel_loop3A_443 = arith.constant 1 : i32
        %parallel_loop3A_444 = vector.broadcast %parallel_loop3A_443 : i32 to vector<16xi32>
        %parallel_loop3A_445 = arith.shrui %parallel_loop3A_442, %parallel_loop3A_444 : vector<16xi32>
        %parallel_loop3A_446 = arith.addi %parallel_loop3A_445, %parallel_loop3A_437 : vector<16xi32>
        %parallel_loop3A_447 = arith.addi %mul3A_378, %parallel_loop3A_425 : i32
        %parallel_loop3A_448 = arith.index_cast %parallel_loop3A_447 : i32 to index
        %parallel_loop3A_449 = tpu.vector_load %arg8[%parallel_loop3A_448] {strides = array<i32>} : memref<10000xi32, #tpu.memory_space<vmem>>, vector<16xi32>,
        tpu.vector_store %arg8[%parallel_loop3A_448], %parallel_loop3A_446 {strides = array<i32>} : memref<10000xi32, #tpu.memory_space<vmem>>, vector<16xi32>,
      } {sc.loop_unroll_factor = 4 : i64, sc.parallel_access}
      %sub3A_382 = arith.constant 2 : i32
      %sub3A_383 = arith.subi %scan3A_343, %sub3A_382 : i32
      %add3A_384 = arith.constant 4 : i32
      %add3A_385 = arith.addi %scan3A_343, %add3A_384 : i32
      %sub3A_386 = arith.constant 2 : i32
      %sub3A_387 = arith.subi %add3A_385, %sub3A_386 : i32
      %rem3A_388 = arith.constant 4 : i32
      %rem3A_389 = arith.remsi %sub3A_387, %rem3A_388 : i32
      %mul3A_390 = arith.constant 64 : i32
      %mul3A_391 = arith.muli %sub3A_383, %mul3A_390 : i32
      %add3A_392 = arith.addi %mul3A_2, %mul3A_391 : i32
      %dma_wait3A_393 = arith.constant 0 : i32
      %dma_wait3A_394 = arith.constant 0 : i32
      %dma_wait3A_395 = tpu.memref_slice %arg9[%rem3A_389, %dma_wait3A_393, %dma_wait3A_394] : memref<4x64x128xf32, #tpu.memory_space<vmem>> -> memref<1x64x128xf32, #tpu.memory_space<vmem>>
      %dma_wait3A_396 = tpu.memref_squeeze %dma_wait3A_395 : memref<1x64x128xf32, #tpu.memory_space<vmem>> -> memref<64x128xf32, #tpu.memory_space<vmem>>
      %dma_wait3A_397 = arith.constant 0 : i32
      %dma_wait3A_398 = tpu.memref_slice %arg5[%add3A_392, %dma_wait3A_397] : memref<320000x128xf32, #tpu.memory_space<hbm>> -> memref<64x128xf32, #tpu.memory_space<hbm>>
      %dma_wait3A_399 = tpu.memref_slice %arg13[%rem3A_389] : memref<4x!tpu.dma_semaphore, #tpu.memory_space<semaphore_mem>> -> memref<1x!tpu.dma_semaphore, #tpu.memory_space<semaphore_mem>>
      %dma_wait3A_400 = tpu.memref_squeeze %dma_wait3A_399 : memref<1x!tpu.dma_semaphore, #tpu.memory_space<semaphore_mem>> -> memref<!tpu.dma_semaphore, #tpu.memory_space<semaphore_mem>>
      %dma_wait3A_401 = arith.constant 0 : i32
      %dma_wait3A_402 = tpu.memref_slice %arg5[%add3A_392, %dma_wait3A_401] : memref<320000x128xf32, #tpu.memory_space<hbm>> -> memref<64x128xf32, #tpu.memory_space<hbm>>
      %dma_wait3A_403 = arith.constant 0 : i32
      %dma_wait3A_404 = arith.constant 0 : i32
      %dma_wait3A_405 = tpu.memref_slice %arg9[%rem3A_389, %dma_wait3A_403, %dma_wait3A_404] : memref<4x64x128xf32, #tpu.memory_space<vmem>> -> memref<1x64x128xf32, #tpu.memory_space<vmem>>
      %dma_wait3A_406 = tpu.memref_squeeze %dma_wait3A_405 : memref<1x64x128xf32, #tpu.memory_space<vmem>> -> memref<64x128xf32, #tpu.memory_space<vmem>>
      tpu.wait_dma2 semaphore(%dma_wait3A_400 : memref<!tpu.dma_semaphore, #tpu.memory_space<semaphore_mem>>) src(%dma_wait3A_406 : memref<64x128xf32, #tpu.memory_space<vmem>>) dst(%dma_wait3A_402 : memref<64x128xf32, #tpu.memory_space<hbm>>)
      %add3A_407 = arith.constant 2 : i32
      %add3A_408 = arith.addi %scan3A_343, %add3A_407 : i32
      %add3A_409 = arith.constant 2 : i32
      %add3A_410 = arith.addi %scan3A_343, %add3A_409 : i32
      %rem3A_411 = arith.constant 4 : i32
      %rem3A_412 = arith.remsi %add3A_410, %rem3A_411 : i32
      %mul3A_413 = arith.constant 64 : i32
      %mul3A_414 = arith.muli %add3A_408, %mul3A_413 : i32
      %dma_start3A_415 = arith.constant 0 : i32
      %dma_start3A_416 = arith.constant 0 : i32
      %dma_start3A_417 = tpu.memref_slice %arg9[%rem3A_412, %dma_start3A_415, %dma_start3A_416] : memref<4x64x128xf32, #tpu.memory_space<vmem>> -> memref<1x64x128xf32, #tpu.memory_space<vmem>>
      %dma_start3A_418 = tpu.memref_squeeze %dma_start3A_417 : memref<1x64x128xf32, #tpu.memory_space<vmem>> -> memref<64x128xf32, #tpu.memory_space<vmem>>
      %dma_start3A_419 = tpu.memref_slice %arg8[%mul3A_414] : memref<10000xi32, #tpu.memory_space<vmem>> -> memref<64xi32, #tpu.memory_space<vmem>>
      %dma_start3A_420 = arith.constant 0 : i32
      %dma_start3A_421 = arith.constant 0 : i32
      %dma_start3A_422 = tpu.memref_slice %arg10[%dma_start3A_420, %dma_start3A_421] : memref<3000x128xf32, #tpu.memory_space<vmem_shared>> -> memref<3000x128xf32, #tpu.memory_space<vmem_shared>>
      %dma_start3A_423 = tpu.memref_slice %arg12[%rem3A_412] : memref<4x!tpu.dma_semaphore, #tpu.memory_space<semaphore_mem>> -> memref<1x!tpu.dma_semaphore, #tpu.memory_space<semaphore_mem>>
      %dma_start3A_424 = tpu.memref_squeeze %dma_start3A_423 : memref<1x!tpu.dma_semaphore, #tpu.memory_space<semaphore_mem>> -> memref<!tpu.dma_semaphore, #tpu.memory_space<semaphore_mem>>
      tpu.enqueue_indirect_dma source(%dma_start3A_422 : memref<3000x128xf32, #tpu.memory_space<vmem_shared>>) target(%dma_start3A_418 : memref<64x128xf32, #tpu.memory_space<vmem>>) offsets(%dma_start3A_419 : memref<64xi32, #tpu.memory_space<vmem>>) semaphore(%dma_start3A_424 : memref<!tpu.dma_semaphore, #tpu.memory_space<semaphore_mem>>)
    }
    %scan3A_145 = arith.constant 152 : i32
    %add3A_146 = arith.constant 9984 : i32
    %add3A_147 = arith.addi %mul3A_2, %add3A_146 : i32
    %dma_wait3A_148 = arith.constant 2 : i32
    %dma_wait3A_149 = arith.constant 2 : i32
    %dma_wait3A_150 = arith.constant 0 : i32
    %dma_wait3A_151 = arith.constant 0 : i32
    %dma_wait3A_152 = tpu.memref_slice %arg9[%dma_wait3A_148, %dma_wait3A_150, %dma_wait3A_151] : memref<4x64x128xf32, #tpu.memory_space<vmem>> -> memref<1x64x128xf32, #tpu.memory_space<vmem>>
    %dma_wait3A_153 = tpu.memref_squeeze %dma_wait3A_152 : memref<1x64x128xf32, #tpu.memory_space<vmem>> -> memref<64x128xf32, #tpu.memory_space<vmem>>
    %dma_wait3A_154 = arith.constant 9856 : i32
    %dma_wait3A_155 = tpu.memref_slice %arg8[%dma_wait3A_154] : memref<10000xi32, #tpu.memory_space<vmem>> -> memref<64xi32, #tpu.memory_space<vmem>>
    %dma_wait3A_156 = arith.constant 0 : i32
    %dma_wait3A_157 = arith.constant 0 : i32
    %dma_wait3A_158 = tpu.memref_slice %arg10[%dma_wait3A_156, %dma_wait3A_157] : memref<3000x128xf32, #tpu.memory_space<vmem_shared>> -> memref<3000x128xf32, #tpu.memory_space<vmem_shared>>
    %dma_wait3A_159 = tpu.memref_slice %arg12[%dma_wait3A_149] : memref<4x!tpu.dma_semaphore, #tpu.memory_space<semaphore_mem>> -> memref<1x!tpu.dma_semaphore, #tpu.memory_space<semaphore_mem>>
    %dma_wait3A_160 = tpu.memref_squeeze %dma_wait3A_159 : memref<1x!tpu.dma_semaphore, #tpu.memory_space<semaphore_mem>> -> memref<!tpu.dma_semaphore, #tpu.memory_space<semaphore_mem>>
    tpu.wait_indirect_dma semaphore(%dma_wait3A_160 : memref<!tpu.dma_semaphore, #tpu.memory_space<semaphore_mem>>) src(%dma_wait3A_158 : memref<3000x128xf32, #tpu.memory_space<vmem_shared>>) dst(%dma_wait3A_153 : memref<64x128xf32, #tpu.memory_space<vmem>>)
    %add3A_161 = arith.constant 9856 : i32
    %add3A_162 = arith.addi %mul3A_2, %add3A_161 : i32
    %dma_start3A_163 = arith.constant 2 : i32
    %dma_start3A_164 = arith.constant 2 : i32
    %dma_start3A_165 = arith.constant 0 : i32
    %dma_start3A_166 = arith.constant 0 : i32
    %dma_start3A_167 = tpu.memref_slice %arg9[%dma_start3A_163, %dma_start3A_165, %dma_start3A_166] : memref<4x64x128xf32, #tpu.memory_space<vmem>> -> memref<1x64x128xf32, #tpu.memory_space<vmem>>
    %dma_start3A_168 = tpu.memref_squeeze %dma_start3A_167 : memref<1x64x128xf32, #tpu.memory_space<vmem>> -> memref<64x128xf32, #tpu.memory_space<vmem>>
    %dma_start3A_169 = arith.constant 0 : i32
    %dma_start3A_170 = tpu.memref_slice %arg5[%add3A_162, %dma_start3A_169] : memref<320000x128xf32, #tpu.memory_space<hbm>> -> memref<64x128xf32, #tpu.memory_space<hbm>>
    %dma_start3A_171 = tpu.memref_slice %arg13[%dma_start3A_164] : memref<4x!tpu.dma_semaphore, #tpu.memory_space<semaphore_mem>> -> memref<1x!tpu.dma_semaphore, #tpu.memory_space<semaphore_mem>>
    %dma_start3A_172 = tpu.memref_squeeze %dma_start3A_171 : memref<1x!tpu.dma_semaphore, #tpu.memory_space<semaphore_mem>> -> memref<!tpu.dma_semaphore, #tpu.memory_space<semaphore_mem>>
    %dma_start3A_173 = arith.constant 0 : i32
    %dma_start3A_174 = tpu.memref_slice %arg5[%add3A_162, %dma_start3A_173] : memref<320000x128xf32, #tpu.memory_space<hbm>> -> memref<64x128xf32, #tpu.memory_space<hbm>>
    %dma_start3A_175 = arith.constant 0 : i32
    %dma_start3A_176 = arith.constant 0 : i32
    %dma_start3A_177 = tpu.memref_slice %arg9[%dma_start3A_163, %dma_start3A_175, %dma_start3A_176] : memref<4x64x128xf32, #tpu.memory_space<vmem>> -> memref<1x64x128xf32, #tpu.memory_space<vmem>>
    %dma_start3A_178 = tpu.memref_squeeze %dma_start3A_177 : memref<1x64x128xf32, #tpu.memory_space<vmem>> -> memref<64x128xf32, #tpu.memory_space<vmem>>
    tpu.enqueue_dma source(%dma_start3A_178 : memref<64x128xf32, #tpu.memory_space<vmem>>) target(%dma_start3A_174 : memref<64x128xf32, #tpu.memory_space<hbm>>) target_semaphore(%dma_start3A_172 : memref<!tpu.dma_semaphore, #tpu.memory_space<semaphore_mem>>)
    %parallel_loop3A_179 = arith.constant 0 : i32
    %parallel_loop3A_180 = arith.constant 16 : i32
    %parallel_loop3A_181 = arith.constant 16 : i32
    scf.for %parallel_loop3A_343 = %parallel_loop3A_179 to %parallel_loop3A_180 step %parallel_loop3A_181  : i32 {
      %parallel_loop3A_344 = arith.constant 9984 : i32
      %parallel_loop3A_345 = arith.addi %rem3A_3, %parallel_loop3A_344 : i32
      %parallel_loop3A_346 = arith.addi %parallel_loop3A_345, %parallel_loop3A_343 : i32
      %parallel_loop3A_347 = arith.constant 0 : i32
      %parallel_loop3A_348 = arith.index_cast %parallel_loop3A_347 : i32 to index
      %parallel_loop3A_349 = arith.index_cast %parallel_loop3A_346 : i32 to index
      %parallel_loop3A_350 = tpu.vector_load %arg7[%parallel_loop3A_348, %parallel_loop3A_349] {strides = array<i32>} : memref<2x10112xi32, #tpu.memory_space<vmem>>, vector<16xi32>,
      %parallel_loop3A_351 = tpu.vector_load_idx %arg6[%parallel_loop3A_350] : memref<10000xi32, #tpu.memory_space<vmem>>[vector<16xi32>], vector<16xi32>,
      %parallel_loop3A_352 = arith.constant 1 : i32
      %parallel_loop3A_353 = arith.index_cast %parallel_loop3A_352 : i32 to index
      %parallel_loop3A_354 = arith.index_cast %parallel_loop3A_346 : i32 to index
      %parallel_loop3A_355 = tpu.vector_load %arg7[%parallel_loop3A_353, %parallel_loop3A_354] {strides = array<i32>} : memref<2x10112xi32, #tpu.memory_space<vmem>>, vector<16xi32>,
      %parallel_loop3A_356 = tpu.vector_load_idx %arg6[%parallel_loop3A_355] : memref<10000xi32, #tpu.memory_space<vmem>>[vector<16xi32>], vector<16xi32>,
      %parallel_loop3A_357 = arith.addi %parallel_loop3A_351, %parallel_loop3A_356 : vector<16xi32>
      %parallel_loop3A_358 = arith.constant 1 : i32
      %parallel_loop3A_359 = vector.broadcast %parallel_loop3A_358 : i32 to vector<16xi32>
      %parallel_loop3A_360 = arith.addi %parallel_loop3A_357, %parallel_loop3A_359 : vector<16xi32>
      %parallel_loop3A_361 = arith.muli %parallel_loop3A_357, %parallel_loop3A_360 : vector<16xi32>
      %parallel_loop3A_362 = arith.constant 1 : i32
      %parallel_loop3A_363 = vector.broadcast %parallel_loop3A_362 : i32 to vector<16xi32>
      %parallel_loop3A_364 = arith.shrui %parallel_loop3A_361, %parallel_loop3A_363 : vector<16xi32>
      %parallel_loop3A_365 = arith.addi %parallel_loop3A_364, %parallel_loop3A_356 : vector<16xi32>
      %parallel_loop3A_366 = arith.constant 9984 : i32
      %parallel_loop3A_367 = arith.addi %parallel_loop3A_366, %parallel_loop3A_343 : i32
      %parallel_loop3A_368 = arith.index_cast %parallel_loop3A_367 : i32 to index
      %parallel_loop3A_369 = tpu.vector_load %arg8[%parallel_loop3A_368] {strides = array<i32>} : memref<10000xi32, #tpu.memory_space<vmem>>, vector<16xi32>,
      tpu.vector_store %arg8[%parallel_loop3A_368], %parallel_loop3A_365 {strides = array<i32>} : memref<10000xi32, #tpu.memory_space<vmem>>, vector<16xi32>,
    } {sc.loop_unroll_factor = 1 : i64, sc.parallel_access}
    %add3A_182 = arith.constant 9728 : i32
    %add3A_183 = arith.addi %mul3A_2, %add3A_182 : i32
    %dma_wait3A_184 = arith.constant 0 : i32
    %dma_wait3A_185 = arith.constant 0 : i32
    %dma_wait3A_186 = arith.constant 0 : i32
    %dma_wait3A_187 = arith.constant 0 : i32
    %dma_wait3A_188 = tpu.memref_slice %arg9[%dma_wait3A_184, %dma_wait3A_186, %dma_wait3A_187] : memref<4x64x128xf32, #tpu.memory_space<vmem>> -> memref<1x64x128xf32, #tpu.memory_space<vmem>>
    %dma_wait3A_189 = tpu.memref_squeeze %dma_wait3A_188 : memref<1x64x128xf32, #tpu.memory_space<vmem>> -> memref<64x128xf32, #tpu.memory_space<vmem>>
    %dma_wait3A_190 = arith.constant 0 : i32
    %dma_wait3A_191 = tpu.memref_slice %arg5[%add3A_183, %dma_wait3A_190] : memref<320000x128xf32, #tpu.memory_space<hbm>> -> memref<64x128xf32, #tpu.memory_space<hbm>>
    %dma_wait3A_192 = tpu.memref_slice %arg13[%dma_wait3A_185] : memref<4x!tpu.dma_semaphore, #tpu.memory_space<semaphore_mem>> -> memref<1x!tpu.dma_semaphore, #tpu.memory_space<semaphore_mem>>
    %dma_wait3A_193 = tpu.memref_squeeze %dma_wait3A_192 : memref<1x!tpu.dma_semaphore, #tpu.memory_space<semaphore_mem>> -> memref<!tpu.dma_semaphore, #tpu.memory_space<semaphore_mem>>
    %dma_wait3A_194 = arith.constant 0 : i32
    %dma_wait3A_195 = tpu.memref_slice %arg5[%add3A_183, %dma_wait3A_194] : memref<320000x128xf32, #tpu.memory_space<hbm>> -> memref<64x128xf32, #tpu.memory_space<hbm>>
    %dma_wait3A_196 = arith.constant 0 : i32
    %dma_wait3A_197 = arith.constant 0 : i32
    %dma_wait3A_198 = tpu.memref_slice %arg9[%dma_wait3A_184, %dma_wait3A_196, %dma_wait3A_197] : memref<4x64x128xf32, #tpu.memory_space<vmem>> -> memref<1x64x128xf32, #tpu.memory_space<vmem>>
    %dma_wait3A_199 = tpu.memref_squeeze %dma_wait3A_198 : memref<1x64x128xf32, #tpu.memory_space<vmem>> -> memref<64x128xf32, #tpu.memory_space<vmem>>
    tpu.wait_dma2 semaphore(%dma_wait3A_193 : memref<!tpu.dma_semaphore, #tpu.memory_space<semaphore_mem>>) src(%dma_wait3A_199 : memref<64x128xf32, #tpu.memory_space<vmem>>) dst(%dma_wait3A_195 : memref<64x128xf32, #tpu.memory_space<hbm>>)
    %dma_wait3A_200 = arith.constant 3 : i32
    %dma_wait3A_201 = arith.constant 3 : i32
    %dma_wait3A_202 = arith.constant 0 : i32
    %dma_wait3A_203 = arith.constant 0 : i32
    %dma_wait3A_204 = tpu.memref_slice %arg9[%dma_wait3A_200, %dma_wait3A_202, %dma_wait3A_203] : memref<4x64x128xf32, #tpu.memory_space<vmem>> -> memref<1x64x128xf32, #tpu.memory_space<vmem>>
    %dma_wait3A_205 = tpu.memref_squeeze %dma_wait3A_204 : memref<1x64x128xf32, #tpu.memory_space<vmem>> -> memref<64x128xf32, #tpu.memory_space<vmem>>
    %dma_wait3A_206 = arith.constant 9920 : i32
    %dma_wait3A_207 = tpu.memref_slice %arg8[%dma_wait3A_206] : memref<10000xi32, #tpu.memory_space<vmem>> -> memref<64xi32, #tpu.memory_space<vmem>>
    %dma_wait3A_208 = arith.constant 0 : i32
    %dma_wait3A_209 = arith.constant 0 : i32
    %dma_wait3A_210 = tpu.memref_slice %arg10[%dma_wait3A_208, %dma_wait3A_209] : memref<3000x128xf32, #tpu.memory_space<vmem_shared>> -> memref<3000x128xf32, #tpu.memory_space<vmem_shared>>
    %dma_wait3A_211 = tpu.memref_slice %arg12[%dma_wait3A_201] : memref<4x!tpu.dma_semaphore, #tpu.memory_space<semaphore_mem>> -> memref<1x!tpu.dma_semaphore, #tpu.memory_space<semaphore_mem>>
    %dma_wait3A_212 = tpu.memref_squeeze %dma_wait3A_211 : memref<1x!tpu.dma_semaphore, #tpu.memory_space<semaphore_mem>> -> memref<!tpu.dma_semaphore, #tpu.memory_space<semaphore_mem>>
    tpu.wait_indirect_dma semaphore(%dma_wait3A_212 : memref<!tpu.dma_semaphore, #tpu.memory_space<semaphore_mem>>) src(%dma_wait3A_210 : memref<3000x128xf32, #tpu.memory_space<vmem_shared>>) dst(%dma_wait3A_205 : memref<64x128xf32, #tpu.memory_space<vmem>>)
    %add3A_213 = arith.constant 9920 : i32
    %add3A_214 = arith.addi %mul3A_2, %add3A_213 : i32
    %dma_start3A_215 = arith.constant 3 : i32
    %dma_start3A_216 = arith.constant 3 : i32
    %dma_start3A_217 = arith.constant 0 : i32
    %dma_start3A_218 = arith.constant 0 : i32
    %dma_start3A_219 = tpu.memref_slice %arg9[%dma_start3A_215, %dma_start3A_217, %dma_start3A_218] : memref<4x64x128xf32, #tpu.memory_space<vmem>> -> memref<1x64x128xf32, #tpu.memory_space<vmem>>
    %dma_start3A_220 = tpu.memref_squeeze %dma_start3A_219 : memref<1x64x128xf32, #tpu.memory_space<vmem>> -> memref<64x128xf32, #tpu.memory_space<vmem>>
    %dma_start3A_221 = arith.constant 0 : i32
    %dma_start3A_222 = tpu.memref_slice %arg5[%add3A_214, %dma_start3A_221] : memref<320000x128xf32, #tpu.memory_space<hbm>> -> memref<64x128xf32, #tpu.memory_space<hbm>>
    %dma_start3A_223 = tpu.memref_slice %arg13[%dma_start3A_216] : memref<4x!tpu.dma_semaphore, #tpu.memory_space<semaphore_mem>> -> memref<1x!tpu.dma_semaphore, #tpu.memory_space<semaphore_mem>>
    %dma_start3A_224 = tpu.memref_squeeze %dma_start3A_223 : memref<1x!tpu.dma_semaphore, #tpu.memory_space<semaphore_mem>> -> memref<!tpu.dma_semaphore, #tpu.memory_space<semaphore_mem>>
    %dma_start3A_225 = arith.constant 0 : i32
    %dma_start3A_226 = tpu.memref_slice %arg5[%add3A_214, %dma_start3A_225] : memref<320000x128xf32, #tpu.memory_space<hbm>> -> memref<64x128xf32, #tpu.memory_space<hbm>>
    %dma_start3A_227 = arith.constant 0 : i32
    %dma_start3A_228 = arith.constant 0 : i32
    %dma_start3A_229 = tpu.memref_slice %arg9[%dma_start3A_215, %dma_start3A_227, %dma_start3A_228] : memref<4x64x128xf32, #tpu.memory_space<vmem>> -> memref<1x64x128xf32, #tpu.memory_space<vmem>>
    %dma_start3A_230 = tpu.memref_squeeze %dma_start3A_229 : memref<1x64x128xf32, #tpu.memory_space<vmem>> -> memref<64x128xf32, #tpu.memory_space<vmem>>
    tpu.enqueue_dma source(%dma_start3A_230 : memref<64x128xf32, #tpu.memory_space<vmem>>) target(%dma_start3A_226 : memref<64x128xf32, #tpu.memory_space<hbm>>) target_semaphore(%dma_start3A_224 : memref<!tpu.dma_semaphore, #tpu.memory_space<semaphore_mem>>)
    %add3A_231 = arith.constant 9792 : i32
    %add3A_232 = arith.addi %mul3A_2, %add3A_231 : i32
    %dma_wait3A_233 = arith.constant 1 : i32
    %dma_wait3A_234 = arith.constant 1 : i32
    %dma_wait3A_235 = arith.constant 0 : i32
    %dma_wait3A_236 = arith.constant 0 : i32
    %dma_wait3A_237 = tpu.memref_slice %arg9[%dma_wait3A_233, %dma_wait3A_235, %dma_wait3A_236] : memref<4x64x128xf32, #tpu.memory_space<vmem>> -> memref<1x64x128xf32, #tpu.memory_space<vmem>>
    %dma_wait3A_238 = tpu.memref_squeeze %dma_wait3A_237 : memref<1x64x128xf32, #tpu.memory_space<vmem>> -> memref<64x128xf32, #tpu.memory_space<vmem>>
    %dma_wait3A_239 = arith.constant 0 : i32
    %dma_wait3A_240 = tpu.memref_slice %arg5[%add3A_232, %dma_wait3A_239] : memref<320000x128xf32, #tpu.memory_space<hbm>> -> memref<64x128xf32, #tpu.memory_space<hbm>>
    %dma_wait3A_241 = tpu.memref_slice %arg13[%dma_wait3A_234] : memref<4x!tpu.dma_semaphore, #tpu.memory_space<semaphore_mem>> -> memref<1x!tpu.dma_semaphore, #tpu.memory_space<semaphore_mem>>
    %dma_wait3A_242 = tpu.memref_squeeze %dma_wait3A_241 : memref<1x!tpu.dma_semaphore, #tpu.memory_space<semaphore_mem>> -> memref<!tpu.dma_semaphore, #tpu.memory_space<semaphore_mem>>
    %dma_wait3A_243 = arith.constant 0 : i32
    %dma_wait3A_244 = tpu.memref_slice %arg5[%add3A_232, %dma_wait3A_243] : memref<320000x128xf32, #tpu.memory_space<hbm>> -> memref<64x128xf32, #tpu.memory_space<hbm>>
    %dma_wait3A_245 = arith.constant 0 : i32
    %dma_wait3A_246 = arith.constant 0 : i32
    %dma_wait3A_247 = tpu.memref_slice %arg9[%dma_wait3A_233, %dma_wait3A_245, %dma_wait3A_246] : memref<4x64x128xf32, #tpu.memory_space<vmem>> -> memref<1x64x128xf32, #tpu.memory_space<vmem>>
    %dma_wait3A_248 = tpu.memref_squeeze %dma_wait3A_247 : memref<1x64x128xf32, #tpu.memory_space<vmem>> -> memref<64x128xf32, #tpu.memory_space<vmem>>
    tpu.wait_dma2 semaphore(%dma_wait3A_242 : memref<!tpu.dma_semaphore, #tpu.memory_space<semaphore_mem>>) src(%dma_wait3A_248 : memref<64x128xf32, #tpu.memory_space<vmem>>) dst(%dma_wait3A_244 : memref<64x128xf32, #tpu.memory_space<hbm>>)
    %add3A_249 = arith.constant 9856 : i32
    %add3A_250 = arith.addi %mul3A_2, %add3A_249 : i32
    %dma_wait3A_251 = arith.constant 2 : i32
    %dma_wait3A_252 = arith.constant 2 : i32
    %dma_wait3A_253 = arith.constant 0 : i32
    %dma_wait3A_254 = arith.constant 0 : i32
    %dma_wait3A_255 = tpu.memref_slice %arg9[%dma_wait3A_251, %dma_wait3A_253, %dma_wait3A_254] : memref<4x64x128xf32, #tpu.memory_space<vmem>> -> memref<1x64x128xf32, #tpu.memory_space<vmem>>
    %dma_wait3A_256 = tpu.memref_squeeze %dma_wait3A_255 : memref<1x64x128xf32, #tpu.memory_space<vmem>> -> memref<64x128xf32, #tpu.memory_space<vmem>>
    %dma_wait3A_257 = arith.constant 0 : i32
    %dma_wait3A_258 = tpu.memref_slice %arg5[%add3A_250, %dma_wait3A_257] : memref<320000x128xf32, #tpu.memory_space<hbm>> -> memref<64x128xf32, #tpu.memory_space<hbm>>
    %dma_wait3A_259 = tpu.memref_slice %arg13[%dma_wait3A_252] : memref<4x!tpu.dma_semaphore, #tpu.memory_space<semaphore_mem>> -> memref<1x!tpu.dma_semaphore, #tpu.memory_space<semaphore_mem>>
    %dma_wait3A_260 = tpu.memref_squeeze %dma_wait3A_259 : memref<1x!tpu.dma_semaphore, #tpu.memory_space<semaphore_mem>> -> memref<!tpu.dma_semaphore, #tpu.memory_space<semaphore_mem>>
    %dma_wait3A_261 = arith.constant 0 : i32
    %dma_wait3A_262 = tpu.memref_slice %arg5[%add3A_250, %dma_wait3A_261] : memref<320000x128xf32, #tpu.memory_space<hbm>> -> memref<64x128xf32, #tpu.memory_space<hbm>>
    %dma_wait3A_263 = arith.constant 0 : i32
    %dma_wait3A_264 = arith.constant 0 : i32
    %dma_wait3A_265 = tpu.memref_slice %arg9[%dma_wait3A_251, %dma_wait3A_263, %dma_wait3A_264] : memref<4x64x128xf32, #tpu.memory_space<vmem>> -> memref<1x64x128xf32, #tpu.memory_space<vmem>>
    %dma_wait3A_266 = tpu.memref_squeeze %dma_wait3A_265 : memref<1x64x128xf32, #tpu.memory_space<vmem>> -> memref<64x128xf32, #tpu.memory_space<vmem>>
    tpu.wait_dma2 semaphore(%dma_wait3A_260 : memref<!tpu.dma_semaphore, #tpu.memory_space<semaphore_mem>>) src(%dma_wait3A_266 : memref<64x128xf32, #tpu.memory_space<vmem>>) dst(%dma_wait3A_262 : memref<64x128xf32, #tpu.memory_space<hbm>>)
    %dma_start3A_267 = arith.constant 0 : i32
    %dma_start3A_268 = arith.constant 0 : i32
    %dma_start3A_269 = arith.constant 0 : i32
    %dma_start3A_270 = arith.constant 0 : i32
    %dma_start3A_271 = tpu.memref_slice %arg9[%dma_start3A_267, %dma_start3A_269, %dma_start3A_270] : memref<4x64x128xf32, #tpu.memory_space<vmem>> -> memref<1x16x128xf32, #tpu.memory_space<vmem>>
    %dma_start3A_272 = tpu.memref_squeeze %dma_start3A_271 : memref<1x16x128xf32, #tpu.memory_space<vmem>> -> memref<16x128xf32, #tpu.memory_space<vmem>>
    %dma_start3A_273 = arith.constant 9984 : i32
    %dma_start3A_274 = tpu.memref_slice %arg8[%dma_start3A_273] : memref<10000xi32, #tpu.memory_space<vmem>> -> memref<16xi32, #tpu.memory_space<vmem>>
    %dma_start3A_275 = arith.constant 0 : i32
    %dma_start3A_276 = arith.constant 0 : i32
    %dma_start3A_277 = tpu.memref_slice %arg10[%dma_start3A_275, %dma_start3A_276] : memref<3000x128xf32, #tpu.memory_space<vmem_shared>> -> memref<3000x128xf32, #tpu.memory_space<vmem_shared>>
    %dma_start3A_278 = tpu.memref_slice %arg12[%dma_start3A_268] : memref<4x!tpu.dma_semaphore, #tpu.memory_space<semaphore_mem>> -> memref<1x!tpu.dma_semaphore, #tpu.memory_space<semaphore_mem>>
    %dma_start3A_279 = tpu.memref_squeeze %dma_start3A_278 : memref<1x!tpu.dma_semaphore, #tpu.memory_space<semaphore_mem>> -> memref<!tpu.dma_semaphore, #tpu.memory_space<semaphore_mem>>
    tpu.enqueue_indirect_dma source(%dma_start3A_277 : memref<3000x128xf32, #tpu.memory_space<vmem_shared>>) target(%dma_start3A_272 : memref<16x128xf32, #tpu.memory_space<vmem>>) offsets(%dma_start3A_274 : memref<16xi32, #tpu.memory_space<vmem>>) semaphore(%dma_start3A_279 : memref<!tpu.dma_semaphore, #tpu.memory_space<semaphore_mem>>)
    %dma_wait3A_280 = arith.constant 0 : i32
    %dma_wait3A_281 = arith.constant 0 : i32
    %dma_wait3A_282 = arith.constant 0 : i32
    %dma_wait3A_283 = arith.constant 0 : i32
    %dma_wait3A_284 = tpu.memref_slice %arg9[%dma_wait3A_280, %dma_wait3A_282, %dma_wait3A_283] : memref<4x64x128xf32, #tpu.memory_space<vmem>> -> memref<1x16x128xf32, #tpu.memory_space<vmem>>
    %dma_wait3A_285 = tpu.memref_squeeze %dma_wait3A_284 : memref<1x16x128xf32, #tpu.memory_space<vmem>> -> memref<16x128xf32, #tpu.memory_space<vmem>>
    %dma_wait3A_286 = arith.constant 9984 : i32
    %dma_wait3A_287 = tpu.memref_slice %arg8[%dma_wait3A_286] : memref<10000xi32, #tpu.memory_space<vmem>> -> memref<16xi32, #tpu.memory_space<vmem>>
    %dma_wait3A_288 = arith.constant 0 : i32
    %dma_wait3A_289 = arith.constant 0 : i32
    %dma_wait3A_290 = tpu.memref_slice %arg10[%dma_wait3A_288, %dma_wait3A_289] : memref<3000x128xf32, #tpu.memory_space<vmem_shared>> -> memref<3000x128xf32, #tpu.memory_space<vmem_shared>>
    %dma_wait3A_291 = tpu.memref_slice %arg12[%dma_wait3A_281] : memref<4x!tpu.dma_semaphore, #tpu.memory_space<semaphore_mem>> -> memref<1x!tpu.dma_semaphore, #tpu.memory_space<semaphore_mem>>
    %dma_wait3A_292 = tpu.memref_squeeze %dma_wait3A_291 : memref<1x!tpu.dma_semaphore, #tpu.memory_space<semaphore_mem>> -> memref<!tpu.dma_semaphore, #tpu.memory_space<semaphore_mem>>
    tpu.wait_indirect_dma semaphore(%dma_wait3A_292 : memref<!tpu.dma_semaphore, #tpu.memory_space<semaphore_mem>>) src(%dma_wait3A_290 : memref<3000x128xf32, #tpu.memory_space<vmem_shared>>) dst(%dma_wait3A_285 : memref<16x128xf32, #tpu.memory_space<vmem>>)
    %dma_start3A_293 = arith.constant 0 : i32
    %dma_start3A_294 = arith.constant 0 : i32
    %dma_start3A_295 = arith.constant 0 : i32
    %dma_start3A_296 = arith.constant 0 : i32
    %dma_start3A_297 = tpu.memref_slice %arg9[%dma_start3A_293, %dma_start3A_295, %dma_start3A_296] : memref<4x64x128xf32, #tpu.memory_space<vmem>> -> memref<1x16x128xf32, #tpu.memory_space<vmem>>
    %dma_start3A_298 = tpu.memref_squeeze %dma_start3A_297 : memref<1x16x128xf32, #tpu.memory_space<vmem>> -> memref<16x128xf32, #tpu.memory_space<vmem>>
    %dma_start3A_299 = arith.constant 0 : i32
    %dma_start3A_300 = tpu.memref_slice %arg5[%add3A_147, %dma_start3A_299] : memref<320000x128xf32, #tpu.memory_space<hbm>> -> memref<16x128xf32, #tpu.memory_space<hbm>>
    %dma_start3A_301 = tpu.memref_slice %arg13[%dma_start3A_294] : memref<4x!tpu.dma_semaphore, #tpu.memory_space<semaphore_mem>> -> memref<1x!tpu.dma_semaphore, #tpu.memory_space<semaphore_mem>>
    %dma_start3A_302 = tpu.memref_squeeze %dma_start3A_301 : memref<1x!tpu.dma_semaphore, #tpu.memory_space<semaphore_mem>> -> memref<!tpu.dma_semaphore, #tpu.memory_space<semaphore_mem>>
    %dma_start3A_303 = arith.constant 0 : i32
    %dma_start3A_304 = tpu.memref_slice %arg5[%add3A_147, %dma_start3A_303] : memref<320000x128xf32, #tpu.memory_space<hbm>> -> memref<16x128xf32, #tpu.memory_space<hbm>>
    %dma_start3A_305 = arith.constant 0 : i32
    %dma_start3A_306 = arith.constant 0 : i32
    %dma_start3A_307 = tpu.memref_slice %arg9[%dma_start3A_293, %dma_start3A_305, %dma_start3A_306] : memref<4x64x128xf32, #tpu.memory_space<vmem>> -> memref<1x16x128xf32, #tpu.memory_space<vmem>>
    %dma_start3A_308 = tpu.memref_squeeze %dma_start3A_307 : memref<1x16x128xf32, #tpu.memory_space<vmem>> -> memref<16x128xf32, #tpu.memory_space<vmem>>
    tpu.enqueue_dma source(%dma_start3A_308 : memref<16x128xf32, #tpu.memory_space<vmem>>) target(%dma_start3A_304 : memref<16x128xf32, #tpu.memory_space<hbm>>) target_semaphore(%dma_start3A_302 : memref<!tpu.dma_semaphore, #tpu.memory_space<semaphore_mem>>)
    %add3A_309 = arith.constant 9920 : i32
    %add3A_310 = arith.addi %mul3A_2, %add3A_309 : i32
    %dma_wait3A_311 = arith.constant 3 : i32
    %dma_wait3A_312 = arith.constant 3 : i32
    %dma_wait3A_313 = arith.constant 0 : i32
    %dma_wait3A_314 = arith.constant 0 : i32
    %dma_wait3A_315 = tpu.memref_slice %arg9[%dma_wait3A_311, %dma_wait3A_313, %dma_wait3A_314] : memref<4x64x128xf32, #tpu.memory_space<vmem>> -> memref<1x64x128xf32, #tpu.memory_space<vmem>>
    %dma_wait3A_316 = tpu.memref_squeeze %dma_wait3A_315 : memref<1x64x128xf32, #tpu.memory_space<vmem>> -> memref<64x128xf32, #tpu.memory_space<vmem>>
    %dma_wait3A_317 = arith.constant 0 : i32
    %dma_wait3A_318 = tpu.memref_slice %arg5[%add3A_310, %dma_wait3A_317] : memref<320000x128xf32, #tpu.memory_space<hbm>> -> memref<64x128xf32, #tpu.memory_space<hbm>>
    %dma_wait3A_319 = tpu.memref_slice %arg13[%dma_wait3A_312] : memref<4x!tpu.dma_semaphore, #tpu.memory_space<semaphore_mem>> -> memref<1x!tpu.dma_semaphore, #tpu.memory_space<semaphore_mem>>
    %dma_wait3A_320 = tpu.memref_squeeze %dma_wait3A_319 : memref<1x!tpu.dma_semaphore, #tpu.memory_space<semaphore_mem>> -> memref<!tpu.dma_semaphore, #tpu.memory_space<semaphore_mem>>
    %dma_wait3A_321 = arith.constant 0 : i32
    %dma_wait3A_322 = tpu.memref_slice %arg5[%add3A_310, %dma_wait3A_321] : memref<320000x128xf32, #tpu.memory_space<hbm>> -> memref<64x128xf32, #tpu.memory_space<hbm>>
    %dma_wait3A_323 = arith.constant 0 : i32
    %dma_wait3A_324 = arith.constant 0 : i32
    %dma_wait3A_325 = tpu.memref_slice %arg9[%dma_wait3A_311, %dma_wait3A_323, %dma_wait3A_324] : memref<4x64x128xf32, #tpu.memory_space<vmem>> -> memref<1x64x128xf32, #tpu.memory_space<vmem>>
    %dma_wait3A_326 = tpu.memref_squeeze %dma_wait3A_325 : memref<1x64x128xf32, #tpu.memory_space<vmem>> -> memref<64x128xf32, #tpu.memory_space<vmem>>
    tpu.wait_dma2 semaphore(%dma_wait3A_320 : memref<!tpu.dma_semaphore, #tpu.memory_space<semaphore_mem>>) src(%dma_wait3A_326 : memref<64x128xf32, #tpu.memory_space<vmem>>) dst(%dma_wait3A_322 : memref<64x128xf32, #tpu.memory_space<hbm>>)
    %dma_wait3A_327 = arith.constant 0 : i32
    %dma_wait3A_328 = arith.constant 0 : i32
    %dma_wait3A_329 = arith.constant 0 : i32
    %dma_wait3A_330 = arith.constant 0 : i32
    %dma_wait3A_331 = tpu.memref_slice %arg9[%dma_wait3A_327, %dma_wait3A_329, %dma_wait3A_330] : memref<4x64x128xf32, #tpu.memory_space<vmem>> -> memref<1x16x128xf32, #tpu.memory_space<vmem>>
    %dma_wait3A_332 = tpu.memref_squeeze %dma_wait3A_331 : memref<1x16x128xf32, #tpu.memory_space<vmem>> -> memref<16x128xf32, #tpu.memory_space<vmem>>
    %dma_wait3A_333 = arith.constant 0 : i32
    %dma_wait3A_334 = tpu.memref_slice %arg5[%add3A_147, %dma_wait3A_333] : memref<320000x128xf32, #tpu.memory_space<hbm>> -> memref<16x128xf32, #tpu.memory_space<hbm>>
    %dma_wait3A_335 = tpu.memref_slice %arg13[%dma_wait3A_328] : memref<4x!tpu.dma_semaphore, #tpu.memory_space<semaphore_mem>> -> memref<1x!tpu.dma_semaphore, #tpu.memory_space<semaphore_mem>>
    %dma_wait3A_336 = tpu.memref_squeeze %dma_wait3A_335 : memref<1x!tpu.dma_semaphore, #tpu.memory_space<semaphore_mem>> -> memref<!tpu.dma_semaphore, #tpu.memory_space<semaphore_mem>>
    %dma_wait3A_337 = arith.constant 0 : i32
    %dma_wait3A_338 = tpu.memref_slice %arg5[%add3A_147, %dma_wait3A_337] : memref<320000x128xf32, #tpu.memory_space<hbm>> -> memref<16x128xf32, #tpu.memory_space<hbm>>
    %dma_wait3A_339 = arith.constant 0 : i32
    %dma_wait3A_340 = arith.constant 0 : i32
    %dma_wait3A_341 = tpu.memref_slice %arg9[%dma_wait3A_327, %dma_wait3A_339, %dma_wait3A_340] : memref<4x64x128xf32, #tpu.memory_space<vmem>> -> memref<1x16x128xf32, #tpu.memory_space<vmem>>
    %dma_wait3A_342 = tpu.memref_squeeze %dma_wait3A_341 : memref<1x16x128xf32, #tpu.memory_space<vmem>> -> memref<16x128xf32, #tpu.memory_space<vmem>>
    tpu.wait_dma2 semaphore(%dma_wait3A_336 : memref<!tpu.dma_semaphore, #tpu.memory_space<semaphore_mem>>) src(%dma_wait3A_342 : memref<16x128xf32, #tpu.memory_space<vmem>>) dst(%dma_wait3A_338 : memref<16x128xf32, #tpu.memory_space<hbm>>)
    return
  }
}

</mosaic_0001>

<sc_bundles>
// kernel: kernel.3.cloned.1.call-start
scs
__scs_entry_jumppad:
0x0: {  	(pc) =	sbr.rel $0x88, $3  }
0x1: {  	(tag) =	ssettag $0x0;
	lr =	simm.s32 $0x1  }
0x2: {  	[smem:$0x3F9E] =	sst lr;
	_ =	strace $0xD0000000  }
0x3: {  	_ = 	snop  }
0x4: {  	_ = 	snop  }
0x5: {  	_ = 	snop  }
0x6: {  	_ = 	snop  }
0x7: {  	_ = 	snop  }
__scs_overlays_trampoline_lowered:
0x8: {  	[smem:$0x3FAD] =	sst s0  }
0x9: {  	[smem:$0x3FAE] =	sst s1  }
0xa: {  	[smem:$0x3FAF] =	sst s2  }
0xb: {  	[smem:$0x3FB0] =	sst s3  }
0xc: {  	[smem:$0x3FB1] =	sst s4  }
0xd: {  	[smem:$0x3FB2] =	sst s5  }
0xe: {  	[smem:$0x3FB3] =	sst s6  }
0xf: {  	[smem:$0x3FB4] =	sst s7  }
0x10: {  	[smem:$0x3FB5] =	sst s8  }
0x11: {  	[smem:$0x3FB6] =	sst s9;
	s0 =	simm.s32 @!p0 $0x0  }
0x12: {  	s1 =	sld [smem:$0x3F9C];
	s0 =	simm.s32 @p0 $0x1  }
0x13: {  	[smem:$0x3FB7] =	sst s0;
	s0 =	simm.s32 @!p1 $0x0  }
0x14: {  	s2 =	sld [smem:$0x3F9B];
	s0 =	simm.s32 @p1 $0x1  }
0x15: {  	[smem:$0x3FB8] =	sst s0;
	s0 =	simm.s32 @!p2 $0x0  }
0x16: {  	s3 =	sld [smem:$0x3FDB];
	s0 =	simm.s32 @p2 $0x1  }
0x17: {  	s4 =	simm.s32 $0x1BF5;
	[smem:$0x3FBA] =	sst s0  }
0x18: {  	s0 =	sld [smem:$0x3F9D];
	_ =	swait.ge [sflag:s4], $0x0  }
0x19: {  	s7 =	sld [smem:$0x3F9E]  }
0x1a: {  	s8 =	sadd.s32 $0xFFFFE003, lr  }
0x1b: {  	s9 =	sadd.s32 $0xFFFFFEF7, lr;
	s5 =	simm.s32 $0xFFFFFFFF;
	p2 =	slt.u32 s8, $0xFFFFF086  }
0x1c: {  	p1 =	slt.u32 s9, $0xF7A;
	s5 =	simm.s32 @!p2 $0x0  }
0x1d: {  	s5 =	simm.s32 @p1 $0x1;
	p0 =	seq.s32 s7, s2  }
0x1e: {  	s7 =	smul.u32 @!p0 $0xF7A, s2;
	p2 =	seq.s32 @!p0 s5, $0x0  }
0x1f: {  	s9 =	smul.u32 $0xF7A, s1;
	s8 =	simm.s32 @!p0 $0x1BF5;
	p2 =	por !p2, p0  }
0x20: {  	[sflag:s8] =	ssyncset.s32 @!p0 $0xFFFFF086;
	s6 =	sadd.s32 @!p0 s3, s7;
	s7 =	simm.s32 @!p0 $0x108  }
0x21: {  	s3 =	sadd.s32 s3, s9;
	s6 =	sadd.s32 @!p0 $0x88, s6;
	s7 =	simm.s32 @p2 $0x1082  }
0x22: {  	[simem:s7], [sflag:s8] =	dma.local @!p0 [hbm:s6], $0xF7A  }
0x23: {  	s9 =	sor.u32 $0xD0000000, s2;
	s6 =	simm.s32 $0x108;
	_ =	swait.ge @!p0 [sflag:s8], $0x0  }
0x24: {  	s3 =	sadd.s32 $0x88, s3;
	s6 =	simm.s32 @!p1 $0x1082;
	[sflag:s4] =	ssyncset.s32 $0xFFFFF086  }
0x25: {  	[simem:s6], [sflag:s4] =	dma.local [hbm:s3], $0xF7A  }
0x26: {  	[smem:$0x3F9E] =	sst s1;
	(tag) =	ssettag s2;
	_ =	strace s9  }
0x27: {  	s1 =	sld [smem:$0x3FAE]  }
0x28: {  	s2 =	sld [smem:$0x3FAF]  }
0x29: {  	s4 =	sld [smem:$0x3FB1]  }
0x2a: {  	p0 =	seq.s32 s5, $0x0;
	s5 =	sld [smem:$0x3FB2]  }
0x2b: {  	s6 =	sld [smem:$0x3FB3]  }
0x2c: {  	s7 =	sld [smem:$0x3FB4]  }
0x2d: {  	s3 =	simm.s32 $0x108;
	s8 =	sld [smem:$0x3FB5]  }
0x2e: {  	s3 =	simm.s32 @!p0 $0x1082;
	s9 =	sld [smem:$0x3FB6]  }
0x2f: {  	lr =	sadd.s32 s0, s3;
	s0 =	sld [smem:$0x3FAD]  }
0x30: {  	s3 =	sld [smem:$0x3FB0]  }
0x31: {  	[smem:$0x3FB9] =	sst s10  }
0x32: {  	s10 =	sld [smem:$0x3FB7];
	_ =	sdelay $0x3  }
0x33: {  	p0 =	seq.s32 s10, $0x1;
	s10 =	sld [smem:$0x3FB9];
	_ =	sdelay $0x3  }
0x34: {  	[smem:$0x3FB9] =	sst s10  }
0x35: {  	s10 =	sld [smem:$0x3FB8];
	_ =	sdelay $0x3  }
0x36: {  	p1 =	seq.s32 s10, $0x1;
	s10 =	sld [smem:$0x3FB9];
	_ =	sdelay $0x3  }
0x37: {  	[smem:$0x3FB9] =	sst s10  }
0x38: {  	s10 =	sld [smem:$0x3FBA]  }
0x39: {  	_ = 	snop;
	(pc) =	sbr.ind lr, $3  }
0x3a: {  	_ = 	snop  }
0x3b: {  	_ = 	snop  }
0x3c: {  	p2 =	seq.s32 s10, $0x1;
	s10 =	sld [smem:$0x3FB9]  }
0x3d: {  	_ =	shalt  }
0x3e: {  	_ =	shalt  }
0x3f: {  	_ =	shalt  }
0x40: {  	_ =	shalt  }
0x41: {  	_ =	shalt  }
0x42: {  	_ =	shalt  }
0x43: {  	_ =	shalt  }
0x44: {  	_ =	shalt  }
0x45: {  	_ =	shalt  }
0x46: {  	_ =	shalt  }
0x47: {  	_ =	shalt  }
0x48: {  	_ =	shalt  }
0x49: {  	_ =	shalt  }
0x4a: {  	_ =	shalt  }
0x4b: {  	_ =	shalt  }
0x4c: {  	_ =	shalt  }
0x4d: {  	_ =	shalt  }
0x4e: {  	_ =	shalt  }
0x4f: {  	_ =	shalt  }
0x50: {  	_ =	shalt  }
0x51: {  	_ =	shalt  }
0x52: {  	_ =	shalt  }
0x53: {  	_ =	shalt  }
0x54: {  	_ =	shalt  }
0x55: {  	_ =	shalt  }
0x56: {  	_ =	shalt  }
0x57: {  	_ =	shalt  }
0x58: {  	_ =	shalt  }
0x59: {  	_ =	shalt  }
0x5a: {  	_ =	shalt  }
0x5b: {  	_ =	shalt  }
0x5c: {  	_ =	shalt  }
0x5d: {  	_ =	shalt  }
0x5e: {  	_ =	shalt  }
0x5f: {  	_ =	shalt  }
0x60: {  	_ =	shalt  }
0x61: {  	_ =	shalt  }
0x62: {  	_ =	shalt  }
0x63: {  	_ =	shalt  }
0x64: {  	_ =	shalt  }
0x65: {  	_ =	shalt  }
0x66: {  	_ =	shalt  }
0x67: {  	_ =	shalt  }
0x68: {  	_ =	shalt  }
0x69: {  	_ =	shalt  }
0x6a: {  	_ =	shalt  }
0x6b: {  	_ =	shalt  }
0x6c: {  	_ =	shalt  }
0x6d: {  	_ =	shalt  }
0x6e: {  	_ =	shalt  }
0x6f: {  	_ =	shalt  }
0x70: {  	_ =	shalt  }
0x71: {  	_ =	shalt  }
0x72: {  	_ =	shalt  }
0x73: {  	_ =	shalt  }
0x74: {  	_ =	shalt  }
0x75: {  	_ =	shalt  }
0x76: {  	_ =	shalt  }
0x77: {  	_ =	shalt  }
0x78: {  	_ =	shalt  }
0x79: {  	_ =	shalt  }
0x7a: {  	_ =	shalt  }
0x7b: {  	_ =	shalt  }
0x7c: {  	_ =	shalt  }
0x7d: {  	_ =	shalt  }
0x7e: {  	_ =	shalt  }
0x7f: {  	_ =	shalt  }
0x80: {  	_ =	shalt  }
0x81: {  	_ =	shalt  }
0x82: {  	_ =	shalt  }
0x83: {  	_ =	shalt  }
0x84: {  	_ =	shalt  }
0x85: {  	_ =	shalt  }
0x86: {  	_ =	shalt  }
0x87: {  	_ =	shalt  }
.Lfunc_end0:
.L_simem_size_0:
called_computation_lowered:
.L_overlay_start_0:
0x88: {  	s2 =	sld [smem:$0x3FD9]  }
0x89: {  	s3 =	sld [smem:$0x3FFE];
	_ =	sdelay $0x1  }
0x8a: {  	s1 =	srdreg.scid  }
0x8b: {  	s0 =	sand.u32 $0x1, s1  }
0x8c: {  	s18 =	sshll.u32 s0, $0xA;
	s2 =	sadd.s32 s3, s2  }
0x8d: {  	s2 =	sadd.s32 s2, s18  }
0x8e: {  	[smem:$0x3FC5] =	sst s2  }
0x8f: {  	_ = 	snop  }
0x90: {  	s2 =	sld [smem:$0x3FC9]  }
0x91: {  	s19 =	sld [smem:$0x3FC8]  }
0x92: {  	s4 =	sld [smem:$0x3FC7]  }
0x93: {  	s5 =	sld [smem:$0x3FD0];
	(tm) =	ssettm $0x1  }
0x94: {  	s6 =	sld [smem:$0x3FFB];
	_ =	sdelay $0x3  }
0x95: {  	_ =	strace s6  }
0x96: {  	s6 =	sld [smem:$0x3FFC];
	_ =	sdelay $0x3  }
0x97: {  	_ =	strace s6  }
0x98: {  	s6 =	sld [smem:$0x3FFD];
	_ =	sdelay $0x3  }
0x99: {  	_ =	strace s6  }
0x9a: {  	_ =	strace $0x8FFFFFFF  }
0x9b: {  	s20 =	sld [smem:$0x3FDB];
	_ =	sdelay $0x1  }
0x9c: {  	s7 =	simm.s32 $_scs_section_size  }
0x9d: {  	s8 =	simm.s32 $_size__tile_overlayer_lowered;
	s9 =	simm.s32 $_tile_overlayer_lowered  }
0x9e: {  	s23 =	simm.s32 $0x1BFF;
	s22 =	sshll.u32 s9, $0x1;
	s6 =	sadd.s32 s7, s20  }
0x9f: {  	s10 =	simm.s32 $0x0;
	s21 =	sshll.u32 s8, $0x1;
	s8 =	sadd.s32 s22, s6  }
0xa0: {  	[timem:s10], [sflag:s23] =	dma.local [hbm:s8], s21  }
0xa1: {  	_ =	swait.ge [sflag:s23], s21  }
0xa2: {  	s7 =	ssub.s32 $0x0, s21;
	[sflag:s23] =	ssyncset.done $0x0  }
0xa3: {  	[sflag:s23] =	ssyncadd.s32 s7;
	_ =	sdelay $0x1  }
0xa4: {  	s24 =	simm.s32 $0x1B8B  }
0xa5: {  	_ =	swait.ge [sflag:s24], $0x1  }
0xa6: {  	[sflag:s24] =	ssyncset.done $0x0  }
0xa7: {  	s25 =	simm.s32 $0x1B8E;
	[sflag:s24] =	ssyncadd.s32 $0xFFFFFFFF  }
0xa8: {  	s26 =	simm.s32 $execute0_lowered;
	[smem:$0x3FD2] =	sst s25  }
0xa9: {  	s7 =	sshll.u32 s26, $0x1;
	_ =	strace $0x80000046;
	[dreg:$0x1] =	wrdreg $0xFFFFFFFF  }
0xaa: {  	s28 =	simm.s32 $_size_execute0_lowered;
	s6 =	sadd.s32 s6, s7;
	[dreg:$0x0] =	wrdreg $0x0  }
0xab: {  	s7 =	sshll.u32 s28, $0x1;
	[dreg:$0x2] =	wrdreg s6  }
0xac: {  	[dreg:$0x3] =	wrdreg s7  }
0xad: {  	[dreg:$0x4] =	wrdreg $0xC0  }
0xae: {  	_ =	task [dreg:s10], $0x5FFFF  }
0xaf: {  	[dreg:$0x1] =	wrdreg $0xFFFFFFFF  }
0xb0: {  	[dreg:$0x0] =	wrdreg $0x60  }
0xb1: {  	[dreg:$0x2] =	wrdreg s2  }
0xb2: {  	[dreg:$0x3] =	wrdreg s19  }
0xb3: {  	[dreg:$0x4] =	wrdreg s4  }
0xb4: {  	[dreg:$0x5] =	wrdreg s5  }
0xb5: {  	[dreg:$0x6] =	wrdreg $0x11E000  }
0xb6: {  	[dreg:$0x7] =	wrdreg $0x9  }
0xb7: {  	_ =	task.clear_ibuf [dreg:s10], $0x8FFFF;
	_ =	strace $0x90000046  }
0xb8: {  	s29 =	simm.s32 $0x9;
	_ =	strace $0x80000048  }
0xb9: {  	_ =	swait.ge [sflag:s29], $0x1  }
0xba: {  	[sflag:s29] =	ssyncadd.s32 $0xFFFFFFFF  }
0xbb: {  	_ =	strace $0x90000048  }
0xbc: {  	_ =	sfence  }
0xbd: {  	s30 =	sld [smem:$0x0];
	_ =	sdelay $0x2  }
0xbe: {  	s31 =	sshll.u32 s1, $0xD;
	s1 =	sshrl.u32 s1, $0x2  }
0xbf: {  	s3 =	sand.u32 $0x4000, s31;
	s1 =	sadd.s32 s1, s30  }
0xc0: {  	s0 =	sor.u32 s3, s0;
	s1 =	sshll.u32 s1, $0x11  }
0xc1: {  	s0 =	sor.u32 s1, s0  }
0xc2: {  	s0 =	sadd.s32 $0x8F2B, s0  }
0xc3: {  	[sflag:s0] =	ssyncadd.remote.s32 $0x1  }
0xc4: {  	_ =	sfence.sel $0xFFFF  }
0xc5: {  	[dreg:$0x0] =	wrdreg $0xFFFFFFFF;
	(pc) =	sbr.abs _section_cstart, $3  }
0xc6: {  	[dreg:$0x1] =	wrdreg $0xFFFFFFFF  }
0xc7: {  	_ =	task.clear_ibuf [dreg:s10], $0x2FFFF;
	_ =	strace $0x9FFFFFFF  }
0xc8: {  	(tm) =	ssettm $0x7FFFFFFF  }
0xc9: {  	_ =	shalt  }
tec
execute0_lowered:
.L_overlay_start_1:
0x0: {  	(tag) =	ssettag $0x1  }
0x1: {  	s0 =	srdreg.scid;
	s11 =	stileid.u32  }
0x2: {  	s3 =	sand.u32 $0x1, s0;
	s15 =	sshll.u32 s11, $0x1  }
0x3: {  	s1 =	sor.u32 s3, s15  }
0x4: {  	s0 =	smul.u32 $0x2710, s1  }
0x5: {  	s4 =	rddreg [dreg:$0x1];
	s5 =	ssub.s32 $0x2, s3  }
0x6: {  	s6 =	sshrl.u32 s5, $0x1;
	s2 =	sand.u32 $0x70, s0;
	s7 =	sshrl.u32 s0, $0x2  }
0x7: {  	s0 =	ssub.s32 s5, s6;
	s16 =	sand.u32 $0x1FFE0, s7;
	s17 =	sadd.s32 $0x10, s2  }
0x8: {  	s19 =	sadd.s32 $0x20, s2;
	s8 =	sadd.s32 $0x30, s2;
	s23 =	sadd.s32 $0x40, s2  }
0x9: {  	s25 =	sadd.s32 $0x50, s2;
	s28 =	sadd.s32 $0x60, s2;
	s9 =	sadd.s32 $0x90, s2  }
0xa: {  	s4 =	sadd.s32 s4, s16;
	s18 =	sshll.u32 s17, $0x1;
	s6 =	sand.u32 $0x70, s17  }
0xb: {  	s20 =	sshll.u32 s19, $0x1;
	s5 =	sand.u32 $0x70, s19;
	s21 =	sshll.u32 s8, $0x1  }
0xc: {  	s22 =	sand.u32 $0x70, s8;
	s24 =	sshll.u32 s23, $0x1;
	s26 =	sshll.u32 s25, $0x1  }
0xd: {  	s10 =	sshll.u32 s9, $0x1;
	[dreg:$0x7] =	wrdreg s4;
	s4 =	sand.u32 $0x100, s18  }
0xe: {  	s7 =	sand.u32 $0x100, s20;
	s18 =	sadd.s32 $0xA0, s2;
	s12 =	sor.u32 s6, s4  }
0xf: {  	s13 =	sor.u32 s5, s7;
	s4 =	sand.u32 $0x100, s21;
	s6 =	sand.u32 $0x70, s23  }
0x10: {  	s5 =	sand.u32 $0x70, s25;
	s7 =	sand.u32 $0x100, s26;
	s21 =	sshll.u32 s18, $0x1  }
0x11: {  	s23 =	sadd.s32 $0xB0, s2;
	s25 =	sadd.s32 $0xC0, s2;
	s14 =	sor.u32 s22, s4  }
0x12: {  	s4 =	sand.u32 $0x100, s24;
	s16 =	sor.u32 s5, s7;
	s5 =	sshll.u32 s28, $0x1  }
0x13: {  	s7 =	sadd.s32 $0x70, s2;
	s22 =	sand.u32 $0x70, s18;
	s24 =	sshll.u32 s23, $0x1  }
0x14: {  	s26 =	sshll.u32 s25, $0x1;
	s18 =	sadd.s32 $0xF0, s2;
	s15 =	sor.u32 s6, s4  }
0x15: {  	s6 =	sand.u32 $0x70, s28;
	s4 =	sand.u32 $0x100, s5;
	s8 =	sshll.u32 s7, $0x1  }
0x16: {  	s5 =	sand.u32 $0x70, s9;
	s28 =	sadd.s32 $0xD0, s2;
	s17 =	sor.u32 s6, s4  }
0x17: {  	s6 =	sand.u32 $0x70, s7;
	s4 =	sand.u32 $0x100, s8;
	s7 =	sand.u32 $0x300, s10  }
0x18: {  	s8 =	sadd.s32 $0xE0, s2;
	s19 =	sor.u32 s6, s4;
	s20 =	sor.u32 s5, s7  }
0x19: {  	s4 =	sand.u32 $0x300, s21;
	s6 =	sand.u32 $0x70, s23;
	s21 =	smul.u32 $0x271000, s11  }
0x1a: {  	s9 =	sand.u32 $0x70, s8;
	s10 =	sshll.u32 s8, $0x1;
	s8 =	smul.u32 $0x138800, s3  }
0x1b: {  	s5 =	sand.u32 $0x70, s25;
	s7 =	sand.u32 $0x300, s26;
	s3 =	smul.u32 $0x2710, s3  }
0x1c: {  	s22 =	sor.u32 s22, s4;
	s4 =	sand.u32 $0x300, s24;
	s24 =	sor.u32 s5, s7  }
0x1d: {  	s7 =	sand.u32 $0x70, s28;
	s5 =	sand.u32 $0x300, s10;
	s10 =	rddreg [dreg:$0x3]  }
0x1e: {  	s23 =	sor.u32 s6, s4;
	s6 =	sshll.u32 s28, $0x1;
	s26 =	sor.u32 s9, s5  }
0x1f: {  	s5 =	sshll.u32 s18, $0x1;
	s9 =	rddreg [dreg:$0x2];
	s4 =	sand.u32 $0x300, s6  }
0x20: {  	s6 =	sand.u32 $0x70, s18;
	s18 =	smul.u32 $0x4E20, s11;
	s25 =	sor.u32 s7, s4  }
0x21: {  	s4 =	sand.u32 $0x300, s5;
	s5 =	sadd.s32 s8, s21;
	s21 =	smul.u32 $0x138800, s1  }
0x22: {  	s1 =	smul.u32 $0x27100, s1;
	s3 =	sadd.s32 s3, s18;
	s18 =	simm.s32 $0x0  }
0x23: {  	s8 =	smul.u32 $0x1800, s11;
	s28 =	sor.u32 s6, s4;
	[smem:$0x7FF] =	sst s18  }
0x24: {  	s6 =	sshrl.u32 s21, $0x3;
	s1 =	sadd.s32 s10, s1;
	s21 =	rddreg [dreg:$0x4]  }
0x25: {  	s8 =	sadd.s32 s9, s8;
	[dreg:$0x16] =	wrdreg s1;
	s1 =	sadd.s32 s10, s6  }
0x26: {  	s6 =	sadd.s32 $0xA800, s9;
	_ =	strace $0x80000047;
	[dreg:$0x17] =	wrdreg s8  }
0x27: {  	s0 =	smax.u32 s0, $0x1;
	[dreg:$0x18] =	wrdreg s6  }
0x28: {  	[dreg:$0x1d] =	wrdreg s0  }
0x29: {  	[dreg:$0x8] =	wrdreg s12  }
0x2a: {  	[dreg:$0x9] =	wrdreg s13  }
0x2b: {  	[dreg:$0xa] =	wrdreg s14  }
0x2c: {  	[dreg:$0xb] =	wrdreg s15  }
0x2d: {  	[dreg:$0xc] =	wrdreg s16  }
0x2e: {  	[dreg:$0xd] =	wrdreg s17  }
0x2f: {  	[dreg:$0xe] =	wrdreg s19  }
0x30: {  	[dreg:$0xf] =	wrdreg s20  }
0x31: {  	[dreg:$0x10] =	wrdreg s22  }
0x32: {  	[dreg:$0x11] =	wrdreg s23  }
0x33: {  	s7 =	smul.u32 $0x30000, s11;
	[dreg:$0x12] =	wrdreg s24  }
0x34: {  	s5 =	sadd.s32 $0x4000, s5;
	s3 =	sshrl.u32 s3, $0x4;
	[dreg:$0x13] =	wrdreg s25  }
0x35: {  	s5 =	sshrl.u32 s5, $0x3;
	s3 =	sand.u32 $0x7, s3;
	[dreg:$0x14] =	wrdreg s26  }
0x36: {  	s10 =	sadd.s32 s5, s10;
	s5 =	sshll.u32 s3, $0x5;
	[dreg:$0x15] =	wrdreg s28  }
0x37: {  	s4 =	sshrl.u32 s7, $0x2;
	s7 =	sadd.s32 $0x400, s1;
	[dreg:$0x6] =	wrdreg s5  }
0x38: {  	s8 =	sadd.s32 $0x26800, s1;
	[dreg:$0x19] =	wrdreg s7  }
0x39: {  	s9 =	sadd.s32 $0x26C00, s1;
	[dreg:$0x1a] =	wrdreg s8  }
0x3a: {  	s1 =	sadd.s32 $0x27000, s1;
	[dreg:$0x1b] =	wrdreg s9  }
0x3b: {  	s12 =	sadd.s32 $0x2780, s12;
	[dreg:$0x1c] =	wrdreg s1  }
0x3c: {  	s13 =	sadd.s32 $0x2780, s13;
	[smem:$0x7F0] =	sst s12  }
0x3d: {  	s14 =	sadd.s32 $0x2780, s14;
	[smem:$0x7F1] =	sst s13  }
0x3e: {  	s15 =	sadd.s32 $0x2780, s15;
	[smem:$0x7F2] =	sst s14  }
0x3f: {  	s16 =	sadd.s32 $0x2780, s16;
	[smem:$0x7F3] =	sst s15  }
0x40: {  	s17 =	sadd.s32 $0x2780, s17;
	[smem:$0x7F4] =	sst s16  }
0x41: {  	s29 =	simm.s32 $0x4;
	s19 =	sadd.s32 $0x2780, s19;
	[smem:$0x7F5] =	sst s17  }
0x42: {  	s30 =	simm.s32 $0x6;
	s20 =	sadd.s32 $0x2780, s20;
	[smem:$0x7F6] =	sst s19  }
0x43: {  	p0 =	sgt.u32 s11, $0x6;
	s22 =	sadd.s32 $0x2780, s22;
	[smem:$0x7F7] =	sst s20  }
0x44: {  	p1 =	sne.s32 @p0 s11, $0x7;
	s23 =	sadd.s32 $0x2780, s23;
	[smem:$0x7F8] =	sst s22  }
0x45: {  	p1 =	por p1, !p0;
	s24 =	sadd.s32 $0x2780, s24;
	[smem:$0x7F9] =	sst s23  }
0x46: {  	s4 =	sadd.s32 s4, s21;
	s25 =	sadd.s32 $0x2780, s25;
	[smem:$0x7FA] =	sst s24  }
0x47: {  	s11 =	sshll.u32 s3, $0x4;
	s26 =	sadd.s32 $0x2780, s26;
	[smem:$0x7FB] =	sst s25  }
0x48: {  	s28 =	sadd.s32 $0x2780, s28;
	s3 =	simm.s32 $0x9;
	[smem:$0x7FC] =	sst s26  }
0x49: {  	s1 =	sadd.s32 $0x54000, s21;
	s31 =	sor.u32 $0x100, s11;
	[smem:$0x7FD] =	sst s28  }
0x4a: {  	s16 =	simm.s32 $0x1;
	s19 =	simm.s32 $0x40;
	s17 =	simm.s32 $0x9E00  }
0x4b: {  	s24 =	simm.s32 $0x2;
	s7 =	simm.s32 $0xDE00;
	s0 =	sshrl.u32 @!p1 s1, $0x3  }
0x4c: {  	s8 =	simm.s32 $0xFE00;
	[dreg:$0x1e] =	wrdreg s0;
	s0 =	sshrl.u32 @!p0 s4, $0x3  }
0x4d: {  	s4 =	simm.s32 $0x0;
	[dreg:$0x1f] =	wrdreg s0;
	s0 =	simm.s32 $0x8  }
.LBB2_1:
0x4e: {  	s1 =	rddreg [dreg:$0x18]  }
0x4f: {  	s5 =	simm.s32 @!p1 $0x1DCA;
	s6 =	rddreg [dreg:$0x1e]  }
0x50: {  	[spmem:s6], [sflag:s5] =	dma.local @!p1 [hbm:s1], $0x1380  }
0x51: {  	s5 =	simm.s32 @!p1 $0xA  }
0x52: {  	s1 =	stileid.u32;
	_ =	swait.ge @!p1 [sflag:s5], $0x1380  }
0x53: {  	s6 =	sshll.u32 @!p0 s1, $0x6;
	[sflag:s5] =	ssyncset.done @!p1 $0x0;
	s1 =	rddreg [dreg:$0x17]  }
0x54: {  	[sflag:s5] =	ssyncadd.s32 @!p1 $0xFFFFEC80;
	s5 =	sor.u32 @!p0 $0x1C0A, s6;
	s6 =	rddreg [dreg:$0x1f]  }
0x55: {  	[spmem:s6], [sflag:s5] =	dma.local @!p0 [hbm:s1], $0x1800  }
0x56: {  	s5 =	simm.s32 @!p0 $0xA  }
0x57: {  	_ =	swait.ge @!p0 [sflag:s5], $0x1800  }
0x58: {  	[sflag:s5] =	ssyncset.done @!p0 $0x0  }
0x59: {  	[sflag:s5] =	ssyncadd.s32 @!p0 $0xFFFFE800  }
0x5a: {  	s13 =	rddreg [dreg:$0x0]  }
0x5b: {  	[tilespmem:s18], [sflag:$0x1] =	stream.linear.gather [hbm4b:s13+s18], $0x2780, $0x38;
	[tilespmem:$0x17BC0] =	vst v63  }
0x5c: {  	s15 =	simm.s32 $0x2780;
	s14 =	rddreg [dreg:$0x7]  }
0x5d: {  	[tilespmem:s15], [sflag:$0x1] =	stream.linear.gather [hbm4b:s14+s18], $0x4F00, $0x38;
	[tilespmem:$0x17BC0] =	vst v63  }
0x5e: {  	_ =	swait.ge [sflag:s16], $0x2780  }
0x5f: {  	[sflag:s16] =	ssyncset.done $0x0  }
0x60: {  	[sflag:s16] =	ssyncadd.s32 $0xFFFFD880  }
0x61: {  	_ =	swait.ge [sflag:s16], $0x4F00  }
0x62: {  	[sflag:s16] =	ssyncset.done $0x0  }
0x63: {  	[sflag:s16] =	ssyncadd.s32 $0xFFFFB100  }
0x64: {  	[bflag:$0x0] =	sbarrier.arrive $0xFFFF  }
0x65: {  	s20 =	rddreg [dreg:$0x8]  }
0x66: {  	v0 =	vld [tilespmem:s2+$0x2780];
	s22 =	sld [smem:$0x7F0]  }
0x67: {  	v1 =	vld [tilespmem:s2+$0x2800];
	s23 =	rddreg [dreg:$0x9]  }
0x68: {  	s25 =	sld [smem:$0x7F1];
	v2 =	vld [tilespmem:s20+$0x2780]  }
0x69: {  	s26 =	rddreg [dreg:$0xa];
	v4 =	vld [tilespmem:s23+$0x2780]  }
0x6a: {  	s28 =	sld [smem:$0x7F2];
	v6 =	vld [tilespmem:s26+$0x2780]  }
0x6b: {  	v3 =	vld [tilespmem:s22+$0x80]  }
0x6c: {  	v5 =	vld [tilespmem:s25+$0x80]  }
0x6d: {  	v7 =	vld [tilespmem:s28+$0x80]  }
0x6e: {  	v0 =	vld.idx.msk [tilespmem:v0+s18+$0x0], $0xffff  }
0x6f: {  	v1 =	vld.idx.msk [tilespmem:v1+s18+$0x0], $0xffff  }
0x70: {  	v2 =	vld.idx.msk [tilespmem:v2+s18+$0x0], $0xffff  }
0x71: {  	v4 =	vld.idx.msk [tilespmem:v4+s18+$0x0], $0xffff  }
0x72: {  	v6 =	vld.idx.msk [tilespmem:v6+s18+$0x0], $0xffff  }
0x73: {  	v3 =	vld.idx.msk [tilespmem:v3+s18+$0x0], $0xffff  }
0x74: {  	v5 =	vld.idx.msk [tilespmem:v5+s18+$0x0], $0xffff  }
0x75: {  	v7 =	vld.idx.msk [tilespmem:v7+s18+$0x0], $0xffff;
	_ =	sdelay $0x1  }
0x76: {  	v0 =	vadd.s32 v0, v1  }
0x77: {  	v8 =	vadd.s32 $0x1, v0;
	v2 =	vadd.s32 v2, v3  }
0x78: {  	v0 =	vmul.u32 v0, v8;
	v4 =	vadd.s32 v4, v5;
	v8 =	vadd.s32 $0x1, v2  }
0x79: {  	v6 =	vadd.s32 v6, v7;
	v2 =	vmul.u32 v2, v8;
	v8 =	vadd.s32 $0x1, v4  }
0x7a: {  	v0 =	vshrl.u32 v0, $0x1;
	v4 =	vmul.u32 v4, v8;
	v8 =	vadd.s32 $0x1, v6  }
0x7b: {  	v0 =	vadd.s32 v1, v0;
	v1 =	vshrl.u32 v2, $0x1;
	v2 =	vmul.u32 v6, v8  }
0x7c: {  	[tilespmem:$0x7680] =	vst v0;
	v0 =	vadd.s32 v3, v1;
	v1 =	vshrl.u32 v4, $0x1  }
0x7d: {  	[tilespmem:$0x7690] =	vst v0;
	v0 =	vadd.s32 v5, v1;
	v1 =	vshrl.u32 v2, $0x1  }
0x7e: {  	s6 =	rddreg [dreg:$0xb];
	[tilespmem:$0x76A0] =	vst v0;
	v0 =	vadd.s32 v7, v1  }
0x7f: {  	s5 =	simm.s32 $0x7680;
	s9 =	sld [smem:$0x7F3];
	[tilespmem:$0x76B0] =	vst v0  }
0x80: {  	[tilespmem:s17], [sflag:$0x2] =	stream.indirect.gather [spmem:s21], $0x80, s5, s19, $0xb8;
	[tilespmem:$0x17BC0] =	vst v63  }
0x81: {  	s12 =	sld [smem:$0x7F4];
	v0 =	vld [tilespmem:s6+$0x2780]  }
0x82: {  	s11 =	rddreg [dreg:$0xc];
	v1 =	vld [tilespmem:s9+$0x80]  }
0x83: {  	s14 =	sld [smem:$0x7F5];
	v2 =	vld [tilespmem:s11+$0x2780]  }
0x84: {  	s13 =	rddreg [dreg:$0xd];
	v3 =	vld [tilespmem:s12+$0x80]  }
0x85: {  	s20 =	sld [smem:$0x7F6];
	v4 =	vld [tilespmem:s13+$0x2780]  }
0x86: {  	s15 =	rddreg [dreg:$0xe];
	v5 =	vld [tilespmem:s14+$0x80]  }
0x87: {  	v6 =	vld [tilespmem:s15+$0x2780]  }
0x88: {  	v7 =	vld [tilespmem:s20+$0x80]  }
0x89: {  	v0 =	vld.idx.msk [tilespmem:v0+s18+$0x0], $0xffff  }
0x8a: {  	v1 =	vld.idx.msk [tilespmem:v1+s18+$0x0], $0xffff  }
0x8b: {  	v2 =	vld.idx.msk [tilespmem:v2+s18+$0x0], $0xffff  }
0x8c: {  	v3 =	vld.idx.msk [tilespmem:v3+s18+$0x0], $0xffff  }
0x8d: {  	v4 =	vld.idx.msk [tilespmem:v4+s18+$0x0], $0xffff  }
0x8e: {  	v5 =	vld.idx.msk [tilespmem:v5+s18+$0x0], $0xffff  }
0x8f: {  	v6 =	vld.idx.msk [tilespmem:v6+s18+$0x0], $0xffff  }
0x90: {  	v7 =	vld.idx.msk [tilespmem:v7+s18+$0x0], $0xffff;
	_ =	sdelay $0x1  }
0x91: {  	v0 =	vadd.s32 v0, v1  }
0x92: {  	v2 =	vadd.s32 v2, v3;
	v8 =	vadd.s32 $0x1, v0  }
0x93: {  	v4 =	vadd.s32 v4, v5;
	v0 =	vmul.u32 v0, v8;
	v8 =	vadd.s32 $0x1, v2  }
0x94: {  	v6 =	vadd.s32 v6, v7;
	v2 =	vmul.u32 v2, v8;
	v8 =	vadd.s32 $0x1, v4  }
0x95: {  	v0 =	vshrl.u32 v0, $0x1;
	v4 =	vmul.u32 v4, v8;
	v8 =	vadd.s32 $0x1, v6  }
0x96: {  	v0 =	vadd.s32 v1, v0;
	v1 =	vshrl.u32 v2, $0x1;
	v2 =	vmul.u32 v6, v8  }
0x97: {  	[tilespmem:$0x76C0] =	vst v0;
	v0 =	vadd.s32 v3, v1;
	v1 =	vshrl.u32 v4, $0x1  }
0x98: {  	[tilespmem:$0x76D0] =	vst v0;
	v0 =	vadd.s32 v5, v1;
	v1 =	vshrl.u32 v2, $0x1  }
0x99: {  	[tilespmem:$0x76E0] =	vst v0;
	v0 =	vadd.s32 v7, v1  }
0x9a: {  	s23 =	simm.s32 $0xBE00;
	s22 =	simm.s32 $0x76C0;
	[tilespmem:$0x76F0] =	vst v0  }
0x9b: {  	[tilespmem:s23], [sflag:$0x3] =	stream.indirect.gather [spmem:s21], $0x80, s22, s19, $0xb8;
	[tilespmem:$0x17BC0] =	vst v63  }
0x9c: {  	_ =	swait.ge [sflag:s24], $0x2000  }
0x9d: {  	[sflag:s24] =	ssyncset.done $0x0  }
0x9e: {  	s25 =	rddreg [dreg:$0x16];
	[sflag:s24] =	ssyncadd.s32 $0xFFFFE000  }
0x9f: {  	[hbm4b:s25+s18] =	stream.linear.scatter [tilespmem:s17], [sflag:$0x6], $0x2000, $0x38;
	[tilespmem:$0x17BC0] =	vst v63  }
0xa0: {  	s28 =	sld [smem:$0x7F7];
	v0 =	vld [tilespmem:s2+$0x2880]  }
0xa1: {  	s26 =	rddreg [dreg:$0xf];
	v1 =	vld [tilespmem:s2+$0x2900]  }
0xa2: {  	s9 =	sld [smem:$0x7F8];
	v2 =	vld [tilespmem:s26+$0x2780]  }
0xa3: {  	s6 =	rddreg [dreg:$0x10];
	v3 =	vld [tilespmem:s28+$0x80]  }
0xa4: {  	s12 =	sld [smem:$0x7F9];
	v4 =	vld [tilespmem:s6+$0x2780]  }
0xa5: {  	s11 =	rddreg [dreg:$0x11];
	v5 =	vld [tilespmem:s9+$0x80]  }
0xa6: {  	v6 =	vld [tilespmem:s11+$0x2780]  }
0xa7: {  	v7 =	vld [tilespmem:s12+$0x80]  }
0xa8: {  	v0 =	vld.idx.msk [tilespmem:v0+s18+$0x0], $0xffff  }
0xa9: {  	v1 =	vld.idx.msk [tilespmem:v1+s18+$0x0], $0xffff  }
0xaa: {  	v2 =	vld.idx.msk [tilespmem:v2+s18+$0x0], $0xffff  }
0xab: {  	v3 =	vld.idx.msk [tilespmem:v3+s18+$0x0], $0xffff  }
0xac: {  	v4 =	vld.idx.msk [tilespmem:v4+s18+$0x0], $0xffff  }
0xad: {  	v5 =	vld.idx.msk [tilespmem:v5+s18+$0x0], $0xffff  }
0xae: {  	v6 =	vld.idx.msk [tilespmem:v6+s18+$0x0], $0xffff  }
0xaf: {  	v7 =	vld.idx.msk [tilespmem:v7+s18+$0x0], $0xffff;
	_ =	sdelay $0x1  }
0xb0: {  	v0 =	vadd.s32 v0, v1  }
0xb1: {  	v2 =	vadd.s32 v2, v3;
	v8 =	vadd.s32 $0x1, v0  }
0xb2: {  	v4 =	vadd.s32 v4, v5;
	v0 =	vmul.u32 v0, v8;
	v8 =	vadd.s32 $0x1, v2  }
0xb3: {  	v6 =	vadd.s32 v6, v7;
	v2 =	vmul.u32 v2, v8;
	v8 =	vadd.s32 $0x1, v4  }
0xb4: {  	v0 =	vshrl.u32 v0, $0x1;
	v4 =	vmul.u32 v4, v8;
	v8 =	vadd.s32 $0x1, v6  }
0xb5: {  	v0 =	vadd.s32 v1, v0;
	v1 =	vshrl.u32 v2, $0x1;
	v2 =	vmul.u32 v6, v8  }
0xb6: {  	[tilespmem:$0x7700] =	vst v0;
	v0 =	vadd.s32 v3, v1;
	v1 =	vshrl.u32 v4, $0x1  }
0xb7: {  	[tilespmem:$0x7710] =	vst v0;
	v0 =	vadd.s32 v5, v1;
	v1 =	vshrl.u32 v2, $0x1  }
0xb8: {  	[tilespmem:$0x7720] =	vst v0;
	v0 =	vadd.s32 v7, v1  }
0xb9: {  	s13 =	simm.s32 $0x7700;
	s14 =	simm.s32 $0x3;
	[tilespmem:$0x7730] =	vst v0  }
0xba: {  	[tilespmem:s7], [sflag:$0x4] =	stream.indirect.gather [spmem:s21], $0x80, s13, s19, $0xb8;
	[tilespmem:$0x17BC0] =	vst v63  }
0xbb: {  	_ =	swait.ge [sflag:s14], $0x2000  }
0xbc: {  	s15 =	rddreg [dreg:$0x19]  }
0xbd: {  	[sflag:s14] =	ssyncset.done $0x0;
	s20 =	rddreg [dreg:$0x12]  }
0xbe: {  	s22 =	sld [smem:$0x7FA];
	[sflag:s14] =	ssyncadd.s32 $0xFFFFE000  }
0xbf: {  	[hbm4b:s15+s18] =	stream.linear.scatter [tilespmem:s23], [sflag:$0x7], $0x2000, $0x38;
	[tilespmem:$0x17BC0] =	vst v63  }
0xc0: {  	s25 =	sld [smem:$0x7FB];
	v0 =	vld [tilespmem:s20+$0x2780]  }
0xc1: {  	s23 =	rddreg [dreg:$0x13];
	v1 =	vld [tilespmem:s22+$0x80]  }
0xc2: {  	s28 =	sld [smem:$0x7FC];
	v2 =	vld [tilespmem:s23+$0x2780]  }
0xc3: {  	s26 =	rddreg [dreg:$0x14];
	v3 =	vld [tilespmem:s25+$0x80]  }
0xc4: {  	s6 =	sld [smem:$0x7FD];
	v4 =	vld [tilespmem:s26+$0x2780]  }
0xc5: {  	s5 =	rddreg [dreg:$0x15];
	v5 =	vld [tilespmem:s28+$0x80]  }
0xc6: {  	v6 =	vld [tilespmem:s5+$0x2780]  }
0xc7: {  	v7 =	vld [tilespmem:s6+$0x80]  }
0xc8: {  	v0 =	vld.idx.msk [tilespmem:v0+s18+$0x0], $0xffff  }
0xc9: {  	v1 =	vld.idx.msk [tilespmem:v1+s18+$0x0], $0xffff  }
0xca: {  	v2 =	vld.idx.msk [tilespmem:v2+s18+$0x0], $0xffff  }
0xcb: {  	v3 =	vld.idx.msk [tilespmem:v3+s18+$0x0], $0xffff  }
0xcc: {  	v4 =	vld.idx.msk [tilespmem:v4+s18+$0x0], $0xffff  }
0xcd: {  	v5 =	vld.idx.msk [tilespmem:v5+s18+$0x0], $0xffff  }
0xce: {  	v6 =	vld.idx.msk [tilespmem:v6+s18+$0x0], $0xffff  }
0xcf: {  	v7 =	vld.idx.msk [tilespmem:v7+s18+$0x0], $0xffff;
	_ =	sdelay $0x1  }
0xd0: {  	v0 =	vadd.s32 v0, v1  }
0xd1: {  	v2 =	vadd.s32 v2, v3;
	v8 =	vadd.s32 $0x1, v0  }
0xd2: {  	v4 =	vadd.s32 v4, v5;
	v0 =	vmul.u32 v0, v8;
	v8 =	vadd.s32 $0x1, v2  }
0xd3: {  	v6 =	vadd.s32 v6, v7;
	v2 =	vmul.u32 v2, v8;
	v8 =	vadd.s32 $0x1, v4  }
0xd4: {  	v0 =	vshrl.u32 v0, $0x1;
	v4 =	vmul.u32 v4, v8;
	v8 =	vadd.s32 $0x1, v6  }
0xd5: {  	v0 =	vadd.s32 v1, v0;
	v1 =	vshrl.u32 v2, $0x1;
	v2 =	vmul.u32 v6, v8  }
0xd6: {  	[tilespmem:$0x7740] =	vst v0;
	v0 =	vadd.s32 v3, v1;
	v1 =	vshrl.u32 v4, $0x1  }
0xd7: {  	[tilespmem:$0x7750] =	vst v0;
	v0 =	vadd.s32 v5, v1;
	v1 =	vshrl.u32 v2, $0x1  }
0xd8: {  	[tilespmem:$0x7760] =	vst v0;
	v0 =	vadd.s32 v7, v1  }
0xd9: {  	s7 =	simm.s32 $0x7740;
	[tilespmem:$0x7770] =	vst v0  }
0xda: {  	[tilespmem:s8], [sflag:$0x5] =	stream.indirect.gather [spmem:s21], $0x80, s7, s19, $0xb8;
	[tilespmem:$0x17BC0] =	vst v63  }
0xdb: {  	s8 =	simm.s32 $0x2  }
0xdc: {  	s5 =	sand.u32 $0x3, s8  }
0xdd: {  	s9 =	sadd.s32 $0x2, s5  }
0xde: {  	s11 =	sshll.u32 s5, $0xD;
	_ =	swait.ge [sflag:s9], $0x2000  }
0xdf: {  	s5 =	sadd.s32 $0x6, s5;
	[sflag:s9] =	ssyncset.done $0x0;
	s12 =	rddreg [dreg:$0x6]  }
0xe0: {  	s13 =	sor.u32 $0x9E00, s11;
	[sflag:s9] =	ssyncadd.s32 $0xFFFFE000;
	s14 =	sadd.s32 $0x0, s12  }
0xe1: {  	[hbm4b:s10+s18] =	stream.linear.scatter [tilespmem:s13], [sflag:s5], $0x2000, $0x38;
	[tilespmem:$0x17BC0] =	vst v63  }
0xe2: {  	s15 =	sadd.s32 $0x30, s31;
	s20 =	sadd.s32 $0x260, s14  }
0xe3: {  	s6 =	sand.u32 $0x70, s15;
	s7 =	sand.u32 $0x7FFFFF00, s20  }
0xe4: {  	s22 =	sand.u32 $0x70, s31;
	s9 =	sadd.s32 $0x200, s14;
	s6 =	sor.u32 s6, s7  }
0xe5: {  	s23 =	sadd.s32 $0x10, s31;
	s11 =	sadd.s32 $0x220, s14;
	s9 =	sand.u32 $0x1FF00, s9;
	v2 =	vld [tilespmem:s6+$0x2800]  }
0xe6: {  	s11 =	sand.u32 $0x7FFFFF00, s11;
	s7 =	sand.u32 $0x70, s23;
	s8 =	sor.u32 s22, s9;
	v0 =	vld [tilespmem:s6+$0x2780]  }
0xe7: {  	s25 =	sor.u32 s7, s11;
	v1 =	vld [tilespmem:s8+$0x2780]  }
0xe8: {  	s26 =	sadd.s32 $0x20, s31;
	s5 =	sadd.s32 $0x240, s14;
	v3 =	vld [tilespmem:s25+$0x2800]  }
0xe9: {  	s28 =	sand.u32 $0x7FFFFF00, s5;
	s7 =	sand.u32 $0x70, s26;
	v4 =	vld [tilespmem:s8+$0x2800]  }
0xea: {  	s12 =	simm.s32 $0x7780;
	s5 =	sand.u32 $0x3, s29;
	s9 =	sor.u32 s7, s28;
	v5 =	vld [tilespmem:s25+$0x2780]  }
0xeb: {  	s22 =	smov.u32 s10;
	s8 =	simm.s32 $0x80;
	s6 =	sshll.u32 s5, $0xD;
	v7 =	vld [tilespmem:s9+$0x2780]  }
0xec: {  	s11 =	simm.s32 $0x4;
	s7 =	simm.s32 $0x7780;
	v6 =	vld [tilespmem:s9+$0x2800];
	s9 =	sadd.s32 $0x40, s31  }
.LBB2_2:
0xed: {  	v2 =	vld.idx.msk [tilespmem:v2+s18+$0x0], $0xffff  }
0xee: {  	v0 =	vld.idx.msk [tilespmem:v0+s18+$0x0], $0xffff  }
0xef: {  	v1 =	vld.idx.msk [tilespmem:v1+s18+$0x0], $0xffff  }
0xf0: {  	v3 =	vld.idx.msk [tilespmem:v3+s18+$0x0], $0xffff  }
0xf1: {  	v4 =	vld.idx.msk [tilespmem:v4+s18+$0x0], $0xffff  }
0xf2: {  	v5 =	vld.idx.msk [tilespmem:v5+s18+$0x0], $0xffff  }
0xf3: {  	v7 =	vld.idx.msk [tilespmem:v7+s18+$0x0], $0xffff  }
0xf4: {  	v6 =	vld.idx.msk [tilespmem:v6+s18+$0x0], $0xffff;
	v0 =	vadd.s32 v0, v2  }
0xf5: {  	v8 =	vadd.s32 $0x1, v0  }
0xf6: {  	v1 =	vadd.s32 v1, v4;
	v0 =	vmul.u32 v0, v8  }
0xf7: {  	v5 =	vadd.s32 v5, v3;
	v8 =	vadd.s32 $0x1, v1  }
0xf8: {  	v1 =	vmul.u32 v1, v8;
	v8 =	vadd.s32 $0x1, v5;
	v0 =	vshrl.u32 v0, $0x1  }
0xf9: {  	v0 =	vadd.s32 v2, v0;
	v2 =	vmul.u32 v5, v8;
	v5 =	vadd.s32 v7, v6  }
0xfa: {  	[tilespmem:s12+$0x30] =	vst v0;
	v0 =	vshrl.u32 v1, $0x1;
	v1 =	vadd.s32 $0x1, v5  }
0xfb: {  	v0 =	vadd.s32 v4, v0;
	v2 =	vshrl.u32 v2, $0x1;
	v1 =	vmul.u32 v5, v1  }
0xfc: {  	[tilespmem:s12+$0x0] =	vst v0;
	v0 =	vadd.s32 v3, v2  }
0xfd: {  	s22 =	sadd.s32 $0x400, s22;
	s11 =	sadd.s32 $0x1, s11;
	s13 =	smov.u32 s8;
	[tilespmem:s12+$0x10] =	vst v0;
	v0 =	vshrl.u32 v1, $0x1  }
0xfe: {  	s26 =	sadd.s32 $0x6, s5;
	s20 =	sor.u32 $0x9E00, s6;
	s14 =	sand.u32 $0x3, s11;
	v0 =	vadd.s32 v6, v0  }
0xff: {  	s1 =	sadd.s32 $0x2, s5;
	s15 =	sadd.s32 $0xFFFFFFFE, s11;
	s23 =	sshll.u32 s14, $0xD;
	[tilespmem:s12+$0x20] =	vst v0  }
0x100: {  	s15 =	sand.u32 $0x3, s15;
	s5 =	smov.u32 s14;
	_ =	swait.ge [sflag:s26], $0x2000  }
0x101: {  	s25 =	sadd.s32 $0x2, s15;
	s28 =	sshll.u32 s15, $0xD;
	[sflag:s26] =	ssyncset.done $0x0  }
0x102: {  	s6 =	smov.u32 s23;
	s28 =	sor.u32 $0x9E00, s28;
	[sflag:s26] =	ssyncadd.s32 $0xFFFFE000  }
0x103: {  	[tilespmem:s20], [sflag:s1] =	stream.indirect.gather [spmem:s21], $0x80, s12, s19, $0xb8;
	[tilespmem:$0x17BC0] =	vst v63  }
0x104: {  	s26 =	sadd.s32 $0x20, s9;
	s20 =	sadd.s32 $0x6, s15;
	_ =	swait.ge [sflag:s25], $0x2000  }
0x105: {  	s15 =	sand.u32 $0x70, s26;
	[sflag:s25] =	ssyncset.done $0x0;
	s23 =	rddreg [dreg:$0x6]  }
0x106: {  	[sflag:s25] =	ssyncadd.s32 $0xFFFFE000;
	s14 =	sadd.s32 s13, s23;
	s25 =	sadd.s32 $0x30, s9  }
0x107: {  	[hbm4b:s22+s18] =	stream.linear.scatter [tilespmem:s28], [sflag:s20], $0x2000, $0x38;
	[tilespmem:$0x17BC0] =	vst v63  }
0x108: {  	s20 =	sadd.s32 $0x200, s14;
	s26 =	sadd.s32 $0x220, s14;
	s28 =	sadd.s32 $0x260, s14  }
0x109: {  	s1 =	sadd.s32 $0x240, s14;
	s14 =	sand.u32 $0x70, s25;
	s25 =	sand.u32 $0x7FFFFF00, s28  }
0x10a: {  	s14 =	sor.u32 s14, s25  }
0x10b: {  	s12 =	sand.u32 $0x70, s9;
	s23 =	sadd.s32 $0x10, s9;
	s20 =	sand.u32 $0x1FF00, s20;
	v2 =	vld [tilespmem:s14+$0x2800]  }
0x10c: {  	s13 =	sand.u32 $0x70, s23;
	s23 =	sand.u32 $0x7FFFFF00, s26;
	s20 =	sor.u32 s12, s20;
	v0 =	vld [tilespmem:s14+$0x2780]  }
0x10d: {  	p2 =	sne.s32 s8, $0x4B80;
	s13 =	sor.u32 s13, s23;
	v1 =	vld [tilespmem:s20+$0x2780]  }
.Ltmp0:
0x10e: {  	v3 =	vld [tilespmem:s13+$0x2800];
	(pc) =	sbr.rel @p2 .LBB2_2-.Ltmp0, $4  }
0x10f: {  	s1 =	sand.u32 $0x7FFFFF00, s1;
	v4 =	vld [tilespmem:s20+$0x2800]  }
0x110: {  	s1 =	sor.u32 s15, s1;
	v5 =	vld [tilespmem:s13+$0x2780]  }
0x111: {  	s7 =	sadd.s32 $0x40, s7;
	v7 =	vld [tilespmem:s1+$0x2780]  }
0x112: {  	s8 =	sadd.s32 $0x80, s8;
	s9 =	sadd.s32 $0x40, s9;
	s12 =	smov.u32 s7;
	v6 =	vld [tilespmem:s1+$0x2800]  }
0x113: {  	_ =	sdelay $0x3  }
0x114: {  	v2 =	vld.idx.msk [tilespmem:v2+s18+$0x0], $0xffff  }
0x115: {  	v0 =	vld.idx.msk [tilespmem:v0+s18+$0x0], $0xffff  }
0x116: {  	v1 =	vld.idx.msk [tilespmem:v1+s18+$0x0], $0xffff  }
0x117: {  	v3 =	vld.idx.msk [tilespmem:v3+s18+$0x0], $0xffff  }
0x118: {  	v4 =	vld.idx.msk [tilespmem:v4+s18+$0x0], $0xffff  }
0x119: {  	v5 =	vld.idx.msk [tilespmem:v5+s18+$0x0], $0xffff  }
0x11a: {  	v7 =	vld.idx.msk [tilespmem:v7+s18+$0x0], $0xffff  }
0x11b: {  	v6 =	vld.idx.msk [tilespmem:v6+s18+$0x0], $0xffff;
	_ =	sdelay $0x1  }
0x11c: {  	v0 =	vadd.s32 v0, v2  }
0x11d: {  	v8 =	vadd.s32 $0x1, v0;
	v1 =	vadd.s32 v1, v4  }
0x11e: {  	v0 =	vmul.u32 v0, v8;
	v52 =	vadd.s32 $0x1, v1;
	v5 =	vadd.s32 v5, v3  }
0x11f: {  	v1 =	vmul.u32 v1, v52;
	v53 =	vadd.s32 $0x1, v5;
	v7 =	vadd.s32 v7, v6  }
0x120: {  	v0 =	vshrl.u32 v0, $0x1;
	v5 =	vmul.u32 v5, v53;
	v54 =	vadd.s32 $0x1, v7  }
0x121: {  	v0 =	vadd.s32 v2, v0;
	v1 =	vshrl.u32 v1, $0x1;
	v55 =	vmul.u32 v7, v54  }
0x122: {  	[tilespmem:s12+$0x30] =	vst v0;
	v56 =	vadd.s32 v4, v1;
	v57 =	vshrl.u32 v5, $0x1  }
0x123: {  	[tilespmem:s12+$0x0] =	vst v56;
	v58 =	vadd.s32 v3, v57;
	v59 =	vshrl.u32 v55, $0x1  }
0x124: {  	[tilespmem:s12+$0x10] =	vst v58;
	v60 =	vadd.s32 v6, v59  }
0x125: {  	s1 =	sadd.s32 $0x6, s5;
	[tilespmem:s12+$0x20] =	vst v60  }
0x126: {  	_ =	swait.ge [sflag:s1], $0x2000  }
0x127: {  	[sflag:s1] =	ssyncset.done $0x0  }
0x128: {  	s6 =	sor.u32 $0x9E00, s6;
	s13 =	sadd.s32 $0x2, s5;
	[sflag:s1] =	ssyncadd.s32 $0xFFFFE000  }
0x129: {  	[tilespmem:s6], [sflag:s13] =	stream.indirect.gather [spmem:s21], $0x80, s12, s19, $0xb8;
	[tilespmem:$0x17BC0] =	vst v63  }
0x12a: {  	_ =	swait.ge [sflag:s29], $0x2000  }
0x12b: {  	[sflag:s29] =	ssyncset.done $0x0  }
0x12c: {  	s7 =	simm.s32 $0xDE00;
	s14 =	rddreg [dreg:$0x1a];
	[sflag:s29] =	ssyncadd.s32 $0xFFFFE000  }
0x12d: {  	[hbm4b:s14+s18] =	stream.linear.scatter [tilespmem:s7], [sflag:$0x8], $0x2000, $0x38;
	[tilespmem:$0x17BC0] =	vst v63  }
0x12e: {  	v61 =	vld [tilespmem:s2+$0x7580]  }
0x12f: {  	v62 =	vld [tilespmem:s2+$0x7600];
	_ =	sdelay $0x6  }
0x130: {  	v0 =	vld.idx.msk [tilespmem:v61+s18+$0x0], $0xffff  }
0x131: {  	v1 =	vld.idx.msk [tilespmem:v62+s18+$0x0], $0xffff;
	_ =	sdelay $0x4  }
0x132: {  	v0 =	vadd.s32 v0, v1  }
0x133: {  	v63 =	vadd.s32 $0x1, v0  }
0x134: {  	v0 =	vmul.u32 v0, v63;
	_ =	sdelay $0x1  }
0x135: {  	v0 =	vshrl.u32 v0, $0x1  }
0x136: {  	v0 =	vadd.s32 v1, v0  }
0x137: {  	[tilespmem:$0x9D80] =	vst v0  }
0x138: {  	_ =	swait.ge [sflag:s30], $0x2000  }
0x139: {  	[sflag:s30] =	ssyncset.done $0x0  }
0x13a: {  	s15 =	simm.s32 $0x5;
	[sflag:s30] =	ssyncadd.s32 $0xFFFFE000  }
0x13b: {  	_ =	swait.ge [sflag:s15], $0x2000  }
0x13c: {  	s8 =	simm.s32 $0xFE00;
	[sflag:s15] =	ssyncset.done $0x0  }
0x13d: {  	s22 =	simm.s32 $0x7;
	s20 =	rddreg [dreg:$0x1b];
	[sflag:s15] =	ssyncadd.s32 $0xFFFFE000  }
0x13e: {  	[hbm4b:s20+s18] =	stream.linear.scatter [tilespmem:s8], [sflag:$0x9], $0x2000, $0x38;
	[tilespmem:$0x17BC0] =	vst v63  }
0x13f: {  	_ =	swait.ge [sflag:s22], $0x2000  }
0x140: {  	[sflag:s22] =	ssyncset.done $0x0  }
0x141: {  	[sflag:s22] =	ssyncadd.s32 $0xFFFFE000  }
0x142: {  	_ =	swait.ge [sflag:s0], $0x2000  }
0x143: {  	[sflag:s0] =	ssyncset.done $0x0  }
0x144: {  	s23 =	simm.s32 $0x10;
	s25 =	simm.s32 $0x9D80;
	[sflag:s0] =	ssyncadd.s32 $0xFFFFE000  }
0x145: {  	[tilespmem:s17], [sflag:$0x2] =	stream.indirect.gather [spmem:s21], $0x80, s25, s23, $0xb8;
	[tilespmem:$0x17BC0] =	vst v63  }
0x146: {  	_ =	swait.ge [sflag:s24], $0x800  }
0x147: {  	[sflag:s24] =	ssyncset.done $0x0  }
0x148: {  	s26 =	rddreg [dreg:$0x1c];
	[sflag:s24] =	ssyncadd.s32 $0xFFFFF800  }
0x149: {  	[hbm4b:s26+s18] =	stream.linear.scatter [tilespmem:s17], [sflag:$0x6], $0x800, $0x38;
	[tilespmem:$0x17BC0] =	vst v63  }
0x14a: {  	_ =	swait.ge [sflag:s3], $0x2000  }
0x14b: {  	[sflag:s3] =	ssyncset.done $0x0  }
0x14c: {  	[sflag:s3] =	ssyncadd.s32 $0xFFFFE000  }
0x14d: {  	_ =	swait.ge [sflag:s30], $0x800  }
0x14e: {  	s4 =	sadd.s32 $0x1, s4;
	s28 =	rddreg [dreg:$0x1d]  }
0x14f: {  	p2 =	sne.s32 s4, s28  }
.Ltmp1:
0x150: {  	_ = 	snop;
	(pc) =	sbr.rel @p2 .LBB2_1-.Ltmp1, $3  }
0x151: {  	_ =	sdelay $0x1  }
0x152: {  	[sflag:s30] =	ssyncset.done $0x0  }
0x153: {  	[sflag:s30] =	ssyncadd.s32 $0xFFFFF800  }
0x154: {  	_ =	sfence.sel $0x180000  }
0x155: {  	[bflag:$0x0] =	sbarrier.arrive $0xFFFF  }
0x156: {  	_ =	strace $0x90000047  }
0x157: {  	s0 =	stileid.u32;
	[bflag:$0x2] =	sbarrier.arrive $0xFFFF  }
0x158: {  	p0 =	sne.s32 s0, $0x0;
	s0 =	rddreg [dreg:$0x5]  }
0x159: {  	s0 =	sadd.s32 @!p0 $0x100000, s0  }
0x15a: {  	[sflag:s0] =	ssyncadd.tile.s32 @!p0 $0x1;
	_ =	shalt  }
.Lfunc_end2:
_tile_overlayer_lowered:
.L_overlay_start_2:
0x15b: {  	(tag) =	ssettag $0x2  }
0x15c: {  	s0 =	rddreg [dreg:$0x0];
	s2 =	stileid.u32  }
0x15d: {  	s1 =	rddreg [dreg:$0x1];
	p0 =	sne.s32 s2, $0x0  }
0x15e: {  	s3 =	rddreg [dreg:$0x2];
	[bflag:$0x3] =	sbarrier.arrive $0xFFFF;
	s2 =	simm.s32 @!p0 $0x1C0A  }
0x15f: {  	[timem:s3], [sflag:s2] =	dma.local @!p0 [hbm:s0], s1  }
0x160: {  	s0 =	simm.s32 @!p0 $0xA  }
0x161: {  	_ =	swait.ge @!p0 [sflag:s0], s1  }
0x162: {  	s1 =	ssub.s32 @!p0 $0x0, s1;
	[sflag:s0] =	ssyncset.done @!p0 $0x0  }
0x163: {  	[sflag:s0] =	ssyncadd.s32 @!p0 s1  }
0x164: {  	[bflag:$0x3] =	sbarrier.arrive $0xFFFF  }
0x165: {  	_ =	shalt  }

</sc_bundles>
